<compile_context>
chip_gen: v7x
topology: tpu7x:2x2x1
jax: 0.10.2.dev20260603
libtpu: 0.0.44.dev20260713+nightly
codegen_flags: <defaults>
</compile_context>

<pallas_src>
import functools

import jax
import jax.numpy as jnp
from jax import lax
from jax.experimental import pallas as pl
from jax.experimental.pallas import tpu as pltpu
from jax.experimental.pallas import tpu_sc as plsc



def _mlp_body(n_valid, block_rows, blk0, x_ref, ids_ref, w1h_ref, b1h_ref,
              w2_ref, b2_ref, out_ref, ids_out_ref):
    xb = x_ref[...].astype(jnp.bfloat16)
    w1h = w1h_ref[...].astype(jnp.bfloat16)
    b1h = b1h_ref[...]
    u = (lax.dot_general(w1h, xb, (((1,), (1,)), ((), ())),
                         preferred_element_type=jnp.float32)
         + b1h).astype(jnp.bfloat16)
    h = u * jnp.tanh(u) + u
    u = (lax.dot_general(w1h, h, (((1,), (0,)), ((), ())),
                         preferred_element_type=jnp.float32)
         + b1h).astype(jnp.bfloat16)
    h = u * jnp.tanh(u) + u
    w2c = w2_ref[...].astype(jnp.bfloat16)
    pw = (h * w2c).astype(jnp.float32)
    pred = jnp.sum(pw, axis=0) + b2_ref[0, 0]
    base = (pl.program_id(0) + blk0) * block_rows
    gidx = base + lax.broadcasted_iota(jnp.int32, (block_rows,), 0)
    valid = gidx < n_valid
    pred = jnp.where(valid, pred, 0.0)
    ids = jnp.where(valid, ids_ref[...], 0)
    out_ref[0] = pred.reshape(block_rows // _LANE, _LANE)
    ids_out_ref[0] = ids.reshape(block_rows // _LANE, _LANE)


def _mlp_pred(node_embedding, batch, W1, b1, W2, b2, block_rows, blk0,
              nblocks):
    n, d = node_embedding.shape
    body = functools.partial(_mlp_body, n, block_rows, blk0)
    blk3 = (1, block_rows // _LANE, _LANE)
    shp3 = (nblocks, block_rows // _LANE, _LANE)
    return pl.pallas_call(
        body,
        grid=(nblocks,),
        in_specs=[
            pl.BlockSpec((block_rows, d), lambda i: (i + blk0, 0)),
            pl.BlockSpec((block_rows,), lambda i: (i + blk0,)),
            pl.BlockSpec((d, d), lambda i: (0, 0)),
            pl.BlockSpec((d, 1), lambda i: (0, 0)),
            pl.BlockSpec((d, 1), lambda i: (0, 0)),
            pl.BlockSpec((1, 1), lambda i: (0, 0)),
        ],
        out_specs=[pl.BlockSpec(blk3, lambda i: (i, 0, 0)),
                   pl.BlockSpec(blk3, lambda i: (i, 0, 0))],
        out_shape=[jax.ShapeDtypeStruct(shp3, jnp.float32),
                   jax.ShapeDtypeStruct(shp3, jnp.int32)],
    )(node_embedding, batch, 0.5 * W1, (0.5 * b1).reshape(d, 1),
      W2.reshape(d, 1), b2.reshape(1, 1))



_NSUB = 16
_LANE = 128


def _make_seg_sum(nj, nchunks, s_pad, with_init):
    mesh = plsc.VectorSubcoreMesh(core_axis_name="c", subcore_axis_name="s")

    @functools.partial(
        pl.kernel,
        out_type=jax.ShapeDtypeStruct((s_pad,), jnp.float32),
        mesh=mesh,
        scratch_types=[
            pltpu.VMEM((nj, _LANE), jnp.float32),
            pltpu.VMEM((nj, _LANE), jnp.int32),
            pltpu.VMEM((s_pad,), jnp.float32),
            pltpu.VMEM_SHARED((s_pad,), jnp.float32),
            pltpu.SemaphoreType.DMA,
        ],
    )
    def seg_sum(pred_hbm, ids_hbm, *rest):
        if with_init:
            init_hbm, out_hbm, vals_v, ids_v, zero_v, acc_sh, sem = rest
        else:
            out_hbm, vals_v, ids_v, zero_v, acc_sh, sem = rest
            init_hbm = None
        cid = lax.axis_index("c")
        sid = lax.axis_index("s")

        @pl.when(cid == 0)
        def _():
            @pl.when(sid < nchunks)
            def _stage():
                cp_v = pltpu.async_copy(pred_hbm.at[sid], vals_v, sem)
                cp_i = pltpu.async_copy(ids_hbm.at[sid], ids_v, sem)
                cp_v.wait()
                cp_i.wait()

            @pl.when(sid == 0)
            def _acc_init():
                if with_init:
                    pltpu.sync_copy(init_hbm, acc_sh)
                else:
                    @pl.loop(0, s_pad, step=16)
                    def _(i):
                        zero_v[pl.ds(i, 16)] = jnp.zeros((16,), jnp.float32)

                    pltpu.sync_copy(zero_v, acc_sh)

            plsc.subcore_barrier()

            @pl.when(sid < nchunks)
            def _scatter():
                descs = [
                    pltpu.async_copy(vals_v.at[j], acc_sh.at[ids_v.at[j]],
                                     sem, add=True)
                    for j in range(nj)
                ]
                for d_ in descs:
                    d_.wait()

            plsc.subcore_barrier()

            @pl.when(sid == 0)
            def _out():
                pltpu.sync_copy(acc_sh, out_hbm)

    return seg_sum



def kernel(node_embedding, pos, atomic_numbers, batch, natoms, W1, b1, W2, b2):
    n, d = node_embedding.shape
    s = natoms.shape[0]

    s_pad = -(-s // 128) * 128
    nj = 56
    block_rows = nj * _LANE
    nchunks = -(-n // block_rows)
    n_pad = nchunks * block_rows

    pred3, ids3 = _mlp_pred(node_embedding, batch, W1, b1, W2, b2, block_rows,
                            0, nchunks)
    energy = _make_seg_sum(nj, nchunks, s_pad, False)(pred3, ids3)
    return energy[:s]

# --- scband reference (transcript-rebuilt; emitter-appended) ---
"""Pipeline reference for scband-base-model-26663156973658 (READ-ONLY COPY).

The authoritative reference and input builder live on the scoring server;
editing this copy changes nothing except your own understanding.
"""

import jax, jax.numpy as jnp
import numpy as np

N = 100000
D = 128
S = 1000

def setup_inputs(seed: int = 0) -> dict:
    key = jax.random.key(seed)
    k1, k2, k3, k4, k5 = jax.random.split(key, 5)
    node_embedding = jax.random.normal(k1, (N, D), dtype=jnp.float32)
    pos = jax.random.normal(k2, (N, 3), dtype=jnp.float32)
    atomic_numbers = jax.random.randint(k3, (N,), 0, 100, dtype=jnp.int32)
    batch = jnp.sort(jax.random.randint(k4, (N,), 0, S, dtype=jnp.int32))
    natoms = jnp.ones((S,), dtype=jnp.int32)
    # Head parameters. NOTE: original code builds [Dense(D, D, silu)] * num_layers,
    # which in PyTorch shares the SAME Dense module across both layers -> shared weights.
    W1 = jax.random.normal(k5, (D, D), dtype=jnp.float32) / np.sqrt(D)
    b1 = jnp.zeros((D,), dtype=jnp.float32)
    W2 = jax.random.normal(jax.random.fold_in(key, 7), (1, D), dtype=jnp.float32) / np.sqrt(D)
    b2 = jnp.zeros((1,), dtype=jnp.float32)
    return {"node_embedding": node_embedding, "pos": pos, "atomic_numbers": atomic_numbers,
            "batch": batch, "natoms": natoms, "W1": W1, "b1": b1, "W2": W2, "b2": b2}

def reference(node_embedding, pos, atomic_numbers, batch, natoms, W1, b1, W2, b2):
    num_systems = natoms.shape[0]
    # Shared hidden Dense applied twice (module list duplication), silu activation
    h = jax.nn.silu(node_embedding @ W1.T + b1)
    h = jax.nn.silu(h @ W1.T + b1)
    # Final Dense to scalar, no activation
    pred = h @ W2.T + b2  # [N, 1]
    # system-level target: scatter_det(pred, batch, dim=0, dim_size=num_systems, reduce='add')
    energy = jax.ops.segment_sum(pred, batch, num_segments=num_systems)  # [S, 1]
    energy = energy[:, 0]  # squeeze(1)
    return energy

if __name__ == "__main__":
    import jax
    _d = setup_inputs()
    print(jax.jit(kernel)(*tuple(_d.values())))

</pallas_src>

<mosaic_0001>
#map = affine_map<(d0, d1) -> (0, 0, 0)>
#map1 = affine_map<(d0, d1) -> (0)>
module attributes {stable_mosaic.version = 14 : i64} {
  func.func @seg_sum(%arg0: i32, %arg1: i32, %arg2: memref<14x56x128xf32, #tpu.memory_space<hbm>>, %arg3: memref<14x56x128xi32, #tpu.memory_space<hbm>>, %arg4: memref<1024xf32, #tpu.memory_space<hbm>>, %arg5: memref<56x128xf32, #tpu.memory_space<vmem>>, %arg6: memref<56x128xi32, #tpu.memory_space<vmem>>, %arg7: memref<1024xf32, #tpu.memory_space<vmem>>, %arg8: memref<1024xf32, #tpu.memory_space<vmem_shared>>, %arg9: memref<!tpu.dma_semaphore, #tpu.memory_space<semaphore_mem>>) attributes {dimension_semantics = [#tpu.dimension_semantics<core_parallel>, #tpu.dimension_semantics<subcore_parallel>], iteration_bounds = array<i64: 2, 16>, scalar_prefetch = 0 : i64, scratch_operands = 5 : i64, tpu.core_type = #tpu.core_type<sc_vector_subcore>, window_params = [{transform_indices = #map}, {transform_indices = #map}, {transform_indices = #map1}]} {
    %eq3A = arith.constant 0 : i32
    %eq3A_0 = arith.cmpi eq, %arg0, %eq3A : i32
    %convert_element_type3A = arith.extui %eq3A_0 : i1 to i32
    %cond3A = arith.constant 0 : i32
    %cond3A_1 = arith.cmpi ne, %convert_element_type3A, %cond3A : i32
    scf.if %cond3A_1 {
      %lt3A = arith.constant 14 : i32
      %lt3A_2 = arith.cmpi slt, %arg1, %lt3A : i32
      %convert_element_type3A_3 = arith.extui %lt3A_2 : i1 to i32
      %cond3A_4 = arith.constant 0 : i32
      %cond3A_5 = arith.cmpi ne, %convert_element_type3A_3, %cond3A_4 : i32
      scf.if %cond3A_5 {
        %dma_start3A = arith.constant 0 : i32
        %dma_start3A_22 = arith.constant 0 : i32
        %dma_start3A_23 = tpu.memref_slice %arg2[%arg1, %dma_start3A, %dma_start3A_22] : memref<14x56x128xf32, #tpu.memory_space<hbm>> -> memref<1x56x128xf32, #tpu.memory_space<hbm>>
        %dma_start3A_24 = tpu.memref_squeeze %dma_start3A_23 : memref<1x56x128xf32, #tpu.memory_space<hbm>> -> memref<56x128xf32, #tpu.memory_space<hbm>>
        %dma_start3A_25 = arith.constant 0 : i32
        %dma_start3A_26 = arith.constant 0 : i32
        %dma_start3A_27 = tpu.memref_slice %arg2[%arg1, %dma_start3A_25, %dma_start3A_26] : memref<14x56x128xf32, #tpu.memory_space<hbm>> -> memref<1x56x128xf32, #tpu.memory_space<hbm>>
        %dma_start3A_28 = tpu.memref_squeeze %dma_start3A_27 : memref<1x56x128xf32, #tpu.memory_space<hbm>> -> memref<56x128xf32, #tpu.memory_space<hbm>>
        tpu.enqueue_dma source(%dma_start3A_28 : memref<56x128xf32, #tpu.memory_space<hbm>>) target(%arg5 : memref<56x128xf32, #tpu.memory_space<vmem>>) target_semaphore(%arg9 : memref<!tpu.dma_semaphore, #tpu.memory_space<semaphore_mem>>)
        %dma_start3A_29 = arith.constant 0 : i32
        %dma_start3A_30 = arith.constant 0 : i32
        %dma_start3A_31 = tpu.memref_slice %arg3[%arg1, %dma_start3A_29, %dma_start3A_30] : memref<14x56x128xi32, #tpu.memory_space<hbm>> -> memref<1x56x128xi32, #tpu.memory_space<hbm>>
        %dma_start3A_32 = tpu.memref_squeeze %dma_start3A_31 : memref<1x56x128xi32, #tpu.memory_space<hbm>> -> memref<56x128xi32, #tpu.memory_space<hbm>>
        %dma_start3A_33 = arith.constant 0 : i32
        %dma_start3A_34 = arith.constant 0 : i32
        %dma_start3A_35 = tpu.memref_slice %arg3[%arg1, %dma_start3A_33, %dma_start3A_34] : memref<14x56x128xi32, #tpu.memory_space<hbm>> -> memref<1x56x128xi32, #tpu.memory_space<hbm>>
        %dma_start3A_36 = tpu.memref_squeeze %dma_start3A_35 : memref<1x56x128xi32, #tpu.memory_space<hbm>> -> memref<56x128xi32, #tpu.memory_space<hbm>>
        tpu.enqueue_dma source(%dma_start3A_36 : memref<56x128xi32, #tpu.memory_space<hbm>>) target(%arg6 : memref<56x128xi32, #tpu.memory_space<vmem>>) target_semaphore(%arg9 : memref<!tpu.dma_semaphore, #tpu.memory_space<semaphore_mem>>)
        %dma_wait3A = arith.constant 0 : i32
        %dma_wait3A_37 = arith.constant 0 : i32
        %dma_wait3A_38 = tpu.memref_slice %arg2[%arg1, %dma_wait3A, %dma_wait3A_37] : memref<14x56x128xf32, #tpu.memory_space<hbm>> -> memref<1x56x128xf32, #tpu.memory_space<hbm>>
        %dma_wait3A_39 = tpu.memref_squeeze %dma_wait3A_38 : memref<1x56x128xf32, #tpu.memory_space<hbm>> -> memref<56x128xf32, #tpu.memory_space<hbm>>
        %dma_wait3A_40 = arith.constant 0 : i32
        %dma_wait3A_41 = arith.constant 0 : i32
        %dma_wait3A_42 = tpu.memref_slice %arg2[%arg1, %dma_wait3A_40, %dma_wait3A_41] : memref<14x56x128xf32, #tpu.memory_space<hbm>> -> memref<1x56x128xf32, #tpu.memory_space<hbm>>
        %dma_wait3A_43 = tpu.memref_squeeze %dma_wait3A_42 : memref<1x56x128xf32, #tpu.memory_space<hbm>> -> memref<56x128xf32, #tpu.memory_space<hbm>>
        tpu.wait_dma2 semaphore(%arg9 : memref<!tpu.dma_semaphore, #tpu.memory_space<semaphore_mem>>) src(%dma_wait3A_43 : memref<56x128xf32, #tpu.memory_space<hbm>>) dst(%arg5 : memref<56x128xf32, #tpu.memory_space<vmem>>)
        %dma_wait3A_44 = arith.constant 0 : i32
        %dma_wait3A_45 = arith.constant 0 : i32
        %dma_wait3A_46 = tpu.memref_slice %arg3[%arg1, %dma_wait3A_44, %dma_wait3A_45] : memref<14x56x128xi32, #tpu.memory_space<hbm>> -> memref<1x56x128xi32, #tpu.memory_space<hbm>>
        %dma_wait3A_47 = tpu.memref_squeeze %dma_wait3A_46 : memref<1x56x128xi32, #tpu.memory_space<hbm>> -> memref<56x128xi32, #tpu.memory_space<hbm>>
        %dma_wait3A_48 = arith.constant 0 : i32
        %dma_wait3A_49 = arith.constant 0 : i32
        %dma_wait3A_50 = tpu.memref_slice %arg3[%arg1, %dma_wait3A_48, %dma_wait3A_49] : memref<14x56x128xi32, #tpu.memory_space<hbm>> -> memref<1x56x128xi32, #tpu.memory_space<hbm>>
        %dma_wait3A_51 = tpu.memref_squeeze %dma_wait3A_50 : memref<1x56x128xi32, #tpu.memory_space<hbm>> -> memref<56x128xi32, #tpu.memory_space<hbm>>
        tpu.wait_dma2 semaphore(%arg9 : memref<!tpu.dma_semaphore, #tpu.memory_space<semaphore_mem>>) src(%dma_wait3A_51 : memref<56x128xi32, #tpu.memory_space<hbm>>) dst(%arg6 : memref<56x128xi32, #tpu.memory_space<vmem>>)
      } else {
      }
      %eq3A_6 = arith.constant 0 : i32
      %eq3A_7 = arith.cmpi eq, %arg1, %eq3A_6 : i32
      %convert_element_type3A_8 = arith.extui %eq3A_7 : i1 to i32
      %cond3A_9 = arith.constant 0 : i32
      %cond3A_10 = arith.cmpi ne, %convert_element_type3A_8, %cond3A_9 : i32
      scf.if %cond3A_10 {
        %scan3A = arith.constant 0 : i32
        %scan3A_22 = arith.constant 64 : i32
        %scan3A_23 = arith.addi %scan3A, %scan3A_22 : i32
        %scan3A_24 = arith.constant 1 : i32
        scf.for %scan3A_26 = %scan3A to %scan3A_23 step %scan3A_24  : i32 {
          %mul3A = arith.constant 16 : i32
          %mul3A_27 = arith.muli %scan3A_26, %mul3A : i32
          %add3A = arith.constant 0 : i32
          %add3A_28 = arith.addi %add3A, %mul3A_27 : i32
          %broadcast_in_dim3A = arith.constant 0.000000e+00 : f32
          %broadcast_in_dim3A_29 = vector.broadcast %broadcast_in_dim3A : f32 to vector<16xf32>
          %swap3A = arith.index_cast %add3A_28 : i32 to index
          %swap3A_30 = tpu.vector_load %arg7[%swap3A] {strides = array<i32>} : memref<1024xf32, #tpu.memory_space<vmem>>, vector<16xf32>,
          %swap3A_31 = vector.shape_cast %swap3A_30 : vector<16xf32> to vector<16xf32>
          %swap3A_32 = vector.shape_cast %broadcast_in_dim3A_29 : vector<16xf32> to vector<16xf32>
          tpu.vector_store %arg7[%swap3A], %swap3A_32 {strides = array<i32>} : memref<1024xf32, #tpu.memory_space<vmem>>, vector<16xf32>,
        }
        %scan3A_25 = arith.constant 64 : i32
        "tpu.region"() ({
          %run_scoped3A = tpu.sem_alloc : memref<!tpu.dma_semaphore, #tpu.memory_space<semaphore_mem>>
          tpu.enqueue_dma source(%arg7 : memref<1024xf32, #tpu.memory_space<vmem>>) target(%arg8 : memref<1024xf32, #tpu.memory_space<vmem_shared>>) target_semaphore(%run_scoped3A : memref<!tpu.dma_semaphore, #tpu.memory_space<semaphore_mem>>)
          tpu.wait_dma2 semaphore(%run_scoped3A : memref<!tpu.dma_semaphore, #tpu.memory_space<semaphore_mem>>) src(%arg7 : memref<1024xf32, #tpu.memory_space<vmem>>) dst(%arg8 : memref<1024xf32, #tpu.memory_space<vmem_shared>>)
          tpu.yield
        }) : () -> ()
      } else {
      }
      %barrier3A = arith.constant 0 : index
      tpu.barrier barrier_id(%barrier3A)
      %lt3A_11 = arith.constant 14 : i32
      %lt3A_12 = arith.cmpi slt, %arg1, %lt3A_11 : i32
      %convert_element_type3A_13 = arith.extui %lt3A_12 : i1 to i32
      %cond3A_14 = arith.constant 0 : i32
      %cond3A_15 = arith.cmpi ne, %convert_element_type3A_13, %cond3A_14 : i32
      scf.if %cond3A_15 {
        %dma_start3A = arith.constant 0 : i32
        %dma_start3A_22 = arith.constant 0 : i32
        %dma_start3A_23 = arith.constant 0 : i32
        %dma_start3A_24 = tpu.memref_slice %arg5[%dma_start3A, %dma_start3A_23] : memref<56x128xf32, #tpu.memory_space<vmem>> -> memref<1x128xf32, #tpu.memory_space<vmem>>
        %dma_start3A_25 = tpu.memref_squeeze %dma_start3A_24 : memref<1x128xf32, #tpu.memory_space<vmem>> -> memref<128xf32, #tpu.memory_space<vmem>>
        %dma_start3A_26 = arith.constant 0 : i32
        %dma_start3A_27 = tpu.memref_slice %arg6[%dma_start3A_22, %dma_start3A_26] : memref<56x128xi32, #tpu.memory_space<vmem>> -> memref<1x128xi32, #tpu.memory_space<vmem>>
        %dma_start3A_28 = tpu.memref_squeeze %dma_start3A_27 : memref<1x128xi32, #tpu.memory_space<vmem>> -> memref<128xi32, #tpu.memory_space<vmem>>
        %dma_start3A_29 = arith.constant 0 : i32
        %dma_start3A_30 = tpu.memref_slice %arg8[%dma_start3A_29] : memref<1024xf32, #tpu.memory_space<vmem_shared>> -> memref<1024xf32, #tpu.memory_space<vmem_shared>>
        tpu.enqueue_indirect_dma source(%dma_start3A_25 : memref<128xf32, #tpu.memory_space<vmem>>) target(%dma_start3A_30 : memref<1024xf32, #tpu.memory_space<vmem_shared>>) offsets(%dma_start3A_28 : memref<128xi32, #tpu.memory_space<vmem>>) semaphore(%arg9 : memref<!tpu.dma_semaphore, #tpu.memory_space<semaphore_mem>>) {add = true}
        %dma_start3A_31 = arith.constant 1 : i32
        %dma_start3A_32 = arith.constant 1 : i32
        %dma_start3A_33 = arith.constant 0 : i32
        %dma_start3A_34 = tpu.memref_slice %arg5[%dma_start3A_31, %dma_start3A_33] : memref<56x128xf32, #tpu.memory_space<vmem>> -> memref<1x128xf32, #tpu.memory_space<vmem>>
        %dma_start3A_35 = tpu.memref_squeeze %dma_start3A_34 : memref<1x128xf32, #tpu.memory_space<vmem>> -> memref<128xf32, #tpu.memory_space<vmem>>
        %dma_start3A_36 = arith.constant 0 : i32
        %dma_start3A_37 = tpu.memref_slice %arg6[%dma_start3A_32, %dma_start3A_36] : memref<56x128xi32, #tpu.memory_space<vmem>> -> memref<1x128xi32, #tpu.memory_space<vmem>>
        %dma_start3A_38 = tpu.memref_squeeze %dma_start3A_37 : memref<1x128xi32, #tpu.memory_space<vmem>> -> memref<128xi32, #tpu.memory_space<vmem>>
        %dma_start3A_39 = arith.constant 0 : i32
        %dma_start3A_40 = tpu.memref_slice %arg8[%dma_start3A_39] : memref<1024xf32, #tpu.memory_space<vmem_shared>> -> memref<1024xf32, #tpu.memory_space<vmem_shared>>
        tpu.enqueue_indirect_dma source(%dma_start3A_35 : memref<128xf32, #tpu.memory_space<vmem>>) target(%dma_start3A_40 : memref<1024xf32, #tpu.memory_space<vmem_shared>>) offsets(%dma_start3A_38 : memref<128xi32, #tpu.memory_space<vmem>>) semaphore(%arg9 : memref<!tpu.dma_semaphore, #tpu.memory_space<semaphore_mem>>) {add = true}
        %dma_start3A_41 = arith.constant 2 : i32
        %dma_start3A_42 = arith.constant 2 : i32
        %dma_start3A_43 = arith.constant 0 : i32
        %dma_start3A_44 = tpu.memref_slice %arg5[%dma_start3A_41, %dma_start3A_43] : memref<56x128xf32, #tpu.memory_space<vmem>> -> memref<1x128xf32, #tpu.memory_space<vmem>>
        %dma_start3A_45 = tpu.memref_squeeze %dma_start3A_44 : memref<1x128xf32, #tpu.memory_space<vmem>> -> memref<128xf32, #tpu.memory_space<vmem>>
        %dma_start3A_46 = arith.constant 0 : i32
        %dma_start3A_47 = tpu.memref_slice %arg6[%dma_start3A_42, %dma_start3A_46] : memref<56x128xi32, #tpu.memory_space<vmem>> -> memref<1x128xi32, #tpu.memory_space<vmem>>
        %dma_start3A_48 = tpu.memref_squeeze %dma_start3A_47 : memref<1x128xi32, #tpu.memory_space<vmem>> -> memref<128xi32, #tpu.memory_space<vmem>>
        %dma_start3A_49 = arith.constant 0 : i32
        %dma_start3A_50 = tpu.memref_slice %arg8[%dma_start3A_49] : memref<1024xf32, #tpu.memory_space<vmem_shared>> -> memref<1024xf32, #tpu.memory_space<vmem_shared>>
        tpu.enqueue_indirect_dma source(%dma_start3A_45 : memref<128xf32, #tpu.memory_space<vmem>>) target(%dma_start3A_50 : memref<1024xf32, #tpu.memory_space<vmem_shared>>) offsets(%dma_start3A_48 : memref<128xi32, #tpu.memory_space<vmem>>) semaphore(%arg9 : memref<!tpu.dma_semaphore, #tpu.memory_space<semaphore_mem>>) {add = true}
        %dma_start3A_51 = arith.constant 3 : i32
        %dma_start3A_52 = arith.constant 3 : i32
        %dma_start3A_53 = arith.constant 0 : i32
        %dma_start3A_54 = tpu.memref_slice %arg5[%dma_start3A_51, %dma_start3A_53] : memref<56x128xf32, #tpu.memory_space<vmem>> -> memref<1x128xf32, #tpu.memory_space<vmem>>
        %dma_start3A_55 = tpu.memref_squeeze %dma_start3A_54 : memref<1x128xf32, #tpu.memory_space<vmem>> -> memref<128xf32, #tpu.memory_space<vmem>>
        %dma_start3A_56 = arith.constant 0 : i32
        %dma_start3A_57 = tpu.memref_slice %arg6[%dma_start3A_52, %dma_start3A_56] : memref<56x128xi32, #tpu.memory_space<vmem>> -> memref<1x128xi32, #tpu.memory_space<vmem>>
        %dma_start3A_58 = tpu.memref_squeeze %dma_start3A_57 : memref<1x128xi32, #tpu.memory_space<vmem>> -> memref<128xi32, #tpu.memory_space<vmem>>
        %dma_start3A_59 = arith.constant 0 : i32
        %dma_start3A_60 = tpu.memref_slice %arg8[%dma_start3A_59] : memref<1024xf32, #tpu.memory_space<vmem_shared>> -> memref<1024xf32, #tpu.memory_space<vmem_shared>>
        tpu.enqueue_indirect_dma source(%dma_start3A_55 : memref<128xf32, #tpu.memory_space<vmem>>) target(%dma_start3A_60 : memref<1024xf32, #tpu.memory_space<vmem_shared>>) offsets(%dma_start3A_58 : memref<128xi32, #tpu.memory_space<vmem>>) semaphore(%arg9 : memref<!tpu.dma_semaphore, #tpu.memory_space<semaphore_mem>>) {add = true}
        %dma_start3A_61 = arith.constant 4 : i32
        %dma_start3A_62 = arith.constant 4 : i32
        %dma_start3A_63 = arith.constant 0 : i32
        %dma_start3A_64 = tpu.memref_slice %arg5[%dma_start3A_61, %dma_start3A_63] : memref<56x128xf32, #tpu.memory_space<vmem>> -> memref<1x128xf32, #tpu.memory_space<vmem>>
        %dma_start3A_65 = tpu.memref_squeeze %dma_start3A_64 : memref<1x128xf32, #tpu.memory_space<vmem>> -> memref<128xf32, #tpu.memory_space<vmem>>
        %dma_start3A_66 = arith.constant 0 : i32
        %dma_start3A_67 = tpu.memref_slice %arg6[%dma_start3A_62, %dma_start3A_66] : memref<56x128xi32, #tpu.memory_space<vmem>> -> memref<1x128xi32, #tpu.memory_space<vmem>>
        %dma_start3A_68 = tpu.memref_squeeze %dma_start3A_67 : memref<1x128xi32, #tpu.memory_space<vmem>> -> memref<128xi32, #tpu.memory_space<vmem>>
        %dma_start3A_69 = arith.constant 0 : i32
        %dma_start3A_70 = tpu.memref_slice %arg8[%dma_start3A_69] : memref<1024xf32, #tpu.memory_space<vmem_shared>> -> memref<1024xf32, #tpu.memory_space<vmem_shared>>
        tpu.enqueue_indirect_dma source(%dma_start3A_65 : memref<128xf32, #tpu.memory_space<vmem>>) target(%dma_start3A_70 : memref<1024xf32, #tpu.memory_space<vmem_shared>>) offsets(%dma_start3A_68 : memref<128xi32, #tpu.memory_space<vmem>>) semaphore(%arg9 : memref<!tpu.dma_semaphore, #tpu.memory_space<semaphore_mem>>) {add = true}
        %dma_start3A_71 = arith.constant 5 : i32
        %dma_start3A_72 = arith.constant 5 : i32
        %dma_start3A_73 = arith.constant 0 : i32
        %dma_start3A_74 = tpu.memref_slice %arg5[%dma_start3A_71, %dma_start3A_73] : memref<56x128xf32, #tpu.memory_space<vmem>> -> memref<1x128xf32, #tpu.memory_space<vmem>>
        %dma_start3A_75 = tpu.memref_squeeze %dma_start3A_74 : memref<1x128xf32, #tpu.memory_space<vmem>> -> memref<128xf32, #tpu.memory_space<vmem>>
        %dma_start3A_76 = arith.constant 0 : i32
        %dma_start3A_77 = tpu.memref_slice %arg6[%dma_start3A_72, %dma_start3A_76] : memref<56x128xi32, #tpu.memory_space<vmem>> -> memref<1x128xi32, #tpu.memory_space<vmem>>
        %dma_start3A_78 = tpu.memref_squeeze %dma_start3A_77 : memref<1x128xi32, #tpu.memory_space<vmem>> -> memref<128xi32, #tpu.memory_space<vmem>>
        %dma_start3A_79 = arith.constant 0 : i32
        %dma_start3A_80 = tpu.memref_slice %arg8[%dma_start3A_79] : memref<1024xf32, #tpu.memory_space<vmem_shared>> -> memref<1024xf32, #tpu.memory_space<vmem_shared>>
        tpu.enqueue_indirect_dma source(%dma_start3A_75 : memref<128xf32, #tpu.memory_space<vmem>>) target(%dma_start3A_80 : memref<1024xf32, #tpu.memory_space<vmem_shared>>) offsets(%dma_start3A_78 : memref<128xi32, #tpu.memory_space<vmem>>) semaphore(%arg9 : memref<!tpu.dma_semaphore, #tpu.memory_space<semaphore_mem>>) {add = true}
        %dma_start3A_81 = arith.constant 6 : i32
        %dma_start3A_82 = arith.constant 6 : i32
        %dma_start3A_83 = arith.constant 0 : i32
        %dma_start3A_84 = tpu.memref_slice %arg5[%dma_start3A_81, %dma_start3A_83] : memref<56x128xf32, #tpu.memory_space<vmem>> -> memref<1x128xf32, #tpu.memory_space<vmem>>
        %dma_start3A_85 = tpu.memref_squeeze %dma_start3A_84 : memref<1x128xf32, #tpu.memory_space<vmem>> -> memref<128xf32, #tpu.memory_space<vmem>>
        %dma_start3A_86 = arith.constant 0 : i32
        %dma_start3A_87 = tpu.memref_slice %arg6[%dma_start3A_82, %dma_start3A_86] : memref<56x128xi32, #tpu.memory_space<vmem>> -> memref<1x128xi32, #tpu.memory_space<vmem>>
        %dma_start3A_88 = tpu.memref_squeeze %dma_start3A_87 : memref<1x128xi32, #tpu.memory_space<vmem>> -> memref<128xi32, #tpu.memory_space<vmem>>
        %dma_start3A_89 = arith.constant 0 : i32
        %dma_start3A_90 = tpu.memref_slice %arg8[%dma_start3A_89] : memref<1024xf32, #tpu.memory_space<vmem_shared>> -> memref<1024xf32, #tpu.memory_space<vmem_shared>>
        tpu.enqueue_indirect_dma source(%dma_start3A_85 : memref<128xf32, #tpu.memory_space<vmem>>) target(%dma_start3A_90 : memref<1024xf32, #tpu.memory_space<vmem_shared>>) offsets(%dma_start3A_88 : memref<128xi32, #tpu.memory_space<vmem>>) semaphore(%arg9 : memref<!tpu.dma_semaphore, #tpu.memory_space<semaphore_mem>>) {add = true}
        %dma_start3A_91 = arith.constant 7 : i32
        %dma_start3A_92 = arith.constant 7 : i32
        %dma_start3A_93 = arith.constant 0 : i32
        %dma_start3A_94 = tpu.memref_slice %arg5[%dma_start3A_91, %dma_start3A_93] : memref<56x128xf32, #tpu.memory_space<vmem>> -> memref<1x128xf32, #tpu.memory_space<vmem>>
        %dma_start3A_95 = tpu.memref_squeeze %dma_start3A_94 : memref<1x128xf32, #tpu.memory_space<vmem>> -> memref<128xf32, #tpu.memory_space<vmem>>
        %dma_start3A_96 = arith.constant 0 : i32
        %dma_start3A_97 = tpu.memref_slice %arg6[%dma_start3A_92, %dma_start3A_96] : memref<56x128xi32, #tpu.memory_space<vmem>> -> memref<1x128xi32, #tpu.memory_space<vmem>>
        %dma_start3A_98 = tpu.memref_squeeze %dma_start3A_97 : memref<1x128xi32, #tpu.memory_space<vmem>> -> memref<128xi32, #tpu.memory_space<vmem>>
        %dma_start3A_99 = arith.constant 0 : i32
        %dma_start3A_100 = tpu.memref_slice %arg8[%dma_start3A_99] : memref<1024xf32, #tpu.memory_space<vmem_shared>> -> memref<1024xf32, #tpu.memory_space<vmem_shared>>
        tpu.enqueue_indirect_dma source(%dma_start3A_95 : memref<128xf32, #tpu.memory_space<vmem>>) target(%dma_start3A_100 : memref<1024xf32, #tpu.memory_space<vmem_shared>>) offsets(%dma_start3A_98 : memref<128xi32, #tpu.memory_space<vmem>>) semaphore(%arg9 : memref<!tpu.dma_semaphore, #tpu.memory_space<semaphore_mem>>) {add = true}
        %dma_start3A_101 = arith.constant 8 : i32
        %dma_start3A_102 = arith.constant 8 : i32
        %dma_start3A_103 = arith.constant 0 : i32
        %dma_start3A_104 = tpu.memref_slice %arg5[%dma_start3A_101, %dma_start3A_103] : memref<56x128xf32, #tpu.memory_space<vmem>> -> memref<1x128xf32, #tpu.memory_space<vmem>>
        %dma_start3A_105 = tpu.memref_squeeze %dma_start3A_104 : memref<1x128xf32, #tpu.memory_space<vmem>> -> memref<128xf32, #tpu.memory_space<vmem>>
        %dma_start3A_106 = arith.constant 0 : i32
        %dma_start3A_107 = tpu.memref_slice %arg6[%dma_start3A_102, %dma_start3A_106] : memref<56x128xi32, #tpu.memory_space<vmem>> -> memref<1x128xi32, #tpu.memory_space<vmem>>
        %dma_start3A_108 = tpu.memref_squeeze %dma_start3A_107 : memref<1x128xi32, #tpu.memory_space<vmem>> -> memref<128xi32, #tpu.memory_space<vmem>>
        %dma_start3A_109 = arith.constant 0 : i32
        %dma_start3A_110 = tpu.memref_slice %arg8[%dma_start3A_109] : memref<1024xf32, #tpu.memory_space<vmem_shared>> -> memref<1024xf32, #tpu.memory_space<vmem_shared>>
        tpu.enqueue_indirect_dma source(%dma_start3A_105 : memref<128xf32, #tpu.memory_space<vmem>>) target(%dma_start3A_110 : memref<1024xf32, #tpu.memory_space<vmem_shared>>) offsets(%dma_start3A_108 : memref<128xi32, #tpu.memory_space<vmem>>) semaphore(%arg9 : memref<!tpu.dma_semaphore, #tpu.memory_space<semaphore_mem>>) {add = true}
        %dma_start3A_111 = arith.constant 9 : i32
        %dma_start3A_112 = arith.constant 9 : i32
        %dma_start3A_113 = arith.constant 0 : i32
        %dma_start3A_114 = tpu.memref_slice %arg5[%dma_start3A_111, %dma_start3A_113] : memref<56x128xf32, #tpu.memory_space<vmem>> -> memref<1x128xf32, #tpu.memory_space<vmem>>
        %dma_start3A_115 = tpu.memref_squeeze %dma_start3A_114 : memref<1x128xf32, #tpu.memory_space<vmem>> -> memref<128xf32, #tpu.memory_space<vmem>>
        %dma_start3A_116 = arith.constant 0 : i32
        %dma_start3A_117 = tpu.memref_slice %arg6[%dma_start3A_112, %dma_start3A_116] : memref<56x128xi32, #tpu.memory_space<vmem>> -> memref<1x128xi32, #tpu.memory_space<vmem>>
        %dma_start3A_118 = tpu.memref_squeeze %dma_start3A_117 : memref<1x128xi32, #tpu.memory_space<vmem>> -> memref<128xi32, #tpu.memory_space<vmem>>
        %dma_start3A_119 = arith.constant 0 : i32
        %dma_start3A_120 = tpu.memref_slice %arg8[%dma_start3A_119] : memref<1024xf32, #tpu.memory_space<vmem_shared>> -> memref<1024xf32, #tpu.memory_space<vmem_shared>>
        tpu.enqueue_indirect_dma source(%dma_start3A_115 : memref<128xf32, #tpu.memory_space<vmem>>) target(%dma_start3A_120 : memref<1024xf32, #tpu.memory_space<vmem_shared>>) offsets(%dma_start3A_118 : memref<128xi32, #tpu.memory_space<vmem>>) semaphore(%arg9 : memref<!tpu.dma_semaphore, #tpu.memory_space<semaphore_mem>>) {add = true}
        %dma_start3A_121 = arith.constant 10 : i32
        %dma_start3A_122 = arith.constant 10 : i32
        %dma_start3A_123 = arith.constant 0 : i32
        %dma_start3A_124 = tpu.memref_slice %arg5[%dma_start3A_121, %dma_start3A_123] : memref<56x128xf32, #tpu.memory_space<vmem>> -> memref<1x128xf32, #tpu.memory_space<vmem>>
        %dma_start3A_125 = tpu.memref_squeeze %dma_start3A_124 : memref<1x128xf32, #tpu.memory_space<vmem>> -> memref<128xf32, #tpu.memory_space<vmem>>
        %dma_start3A_126 = arith.constant 0 : i32
        %dma_start3A_127 = tpu.memref_slice %arg6[%dma_start3A_122, %dma_start3A_126] : memref<56x128xi32, #tpu.memory_space<vmem>> -> memref<1x128xi32, #tpu.memory_space<vmem>>
        %dma_start3A_128 = tpu.memref_squeeze %dma_start3A_127 : memref<1x128xi32, #tpu.memory_space<vmem>> -> memref<128xi32, #tpu.memory_space<vmem>>
        %dma_start3A_129 = arith.constant 0 : i32
        %dma_start3A_130 = tpu.memref_slice %arg8[%dma_start3A_129] : memref<1024xf32, #tpu.memory_space<vmem_shared>> -> memref<1024xf32, #tpu.memory_space<vmem_shared>>
        tpu.enqueue_indirect_dma source(%dma_start3A_125 : memref<128xf32, #tpu.memory_space<vmem>>) target(%dma_start3A_130 : memref<1024xf32, #tpu.memory_space<vmem_shared>>) offsets(%dma_start3A_128 : memref<128xi32, #tpu.memory_space<vmem>>) semaphore(%arg9 : memref<!tpu.dma_semaphore, #tpu.memory_space<semaphore_mem>>) {add = true}
        %dma_start3A_131 = arith.constant 11 : i32
        %dma_start3A_132 = arith.constant 11 : i32
        %dma_start3A_133 = arith.constant 0 : i32
        %dma_start3A_134 = tpu.memref_slice %arg5[%dma_start3A_131, %dma_start3A_133] : memref<56x128xf32, #tpu.memory_space<vmem>> -> memref<1x128xf32, #tpu.memory_space<vmem>>
        %dma_start3A_135 = tpu.memref_squeeze %dma_start3A_134 : memref<1x128xf32, #tpu.memory_space<vmem>> -> memref<128xf32, #tpu.memory_space<vmem>>
        %dma_start3A_136 = arith.constant 0 : i32
        %dma_start3A_137 = tpu.memref_slice %arg6[%dma_start3A_132, %dma_start3A_136] : memref<56x128xi32, #tpu.memory_space<vmem>> -> memref<1x128xi32, #tpu.memory_space<vmem>>
        %dma_start3A_138 = tpu.memref_squeeze %dma_start3A_137 : memref<1x128xi32, #tpu.memory_space<vmem>> -> memref<128xi32, #tpu.memory_space<vmem>>
        %dma_start3A_139 = arith.constant 0 : i32
        %dma_start3A_140 = tpu.memref_slice %arg8[%dma_start3A_139] : memref<1024xf32, #tpu.memory_space<vmem_shared>> -> memref<1024xf32, #tpu.memory_space<vmem_shared>>
        tpu.enqueue_indirect_dma source(%dma_start3A_135 : memref<128xf32, #tpu.memory_space<vmem>>) target(%dma_start3A_140 : memref<1024xf32, #tpu.memory_space<vmem_shared>>) offsets(%dma_start3A_138 : memref<128xi32, #tpu.memory_space<vmem>>) semaphore(%arg9 : memref<!tpu.dma_semaphore, #tpu.memory_space<semaphore_mem>>) {add = true}
        %dma_start3A_141 = arith.constant 12 : i32
        %dma_start3A_142 = arith.constant 12 : i32
        %dma_start3A_143 = arith.constant 0 : i32
        %dma_start3A_144 = tpu.memref_slice %arg5[%dma_start3A_141, %dma_start3A_143] : memref<56x128xf32, #tpu.memory_space<vmem>> -> memref<1x128xf32, #tpu.memory_space<vmem>>
        %dma_start3A_145 = tpu.memref_squeeze %dma_start3A_144 : memref<1x128xf32, #tpu.memory_space<vmem>> -> memref<128xf32, #tpu.memory_space<vmem>>
        %dma_start3A_146 = arith.constant 0 : i32
        %dma_start3A_147 = tpu.memref_slice %arg6[%dma_start3A_142, %dma_start3A_146] : memref<56x128xi32, #tpu.memory_space<vmem>> -> memref<1x128xi32, #tpu.memory_space<vmem>>
        %dma_start3A_148 = tpu.memref_squeeze %dma_start3A_147 : memref<1x128xi32, #tpu.memory_space<vmem>> -> memref<128xi32, #tpu.memory_space<vmem>>
        %dma_start3A_149 = arith.constant 0 : i32
        %dma_start3A_150 = tpu.memref_slice %arg8[%dma_start3A_149] : memref<1024xf32, #tpu.memory_space<vmem_shared>> -> memref<1024xf32, #tpu.memory_space<vmem_shared>>
        tpu.enqueue_indirect_dma source(%dma_start3A_145 : memref<128xf32, #tpu.memory_space<vmem>>) target(%dma_start3A_150 : memref<1024xf32, #tpu.memory_space<vmem_shared>>) offsets(%dma_start3A_148 : memref<128xi32, #tpu.memory_space<vmem>>) semaphore(%arg9 : memref<!tpu.dma_semaphore, #tpu.memory_space<semaphore_mem>>) {add = true}
        %dma_start3A_151 = arith.constant 13 : i32
        %dma_start3A_152 = arith.constant 13 : i32
        %dma_start3A_153 = arith.constant 0 : i32
        %dma_start3A_154 = tpu.memref_slice %arg5[%dma_start3A_151, %dma_start3A_153] : memref<56x128xf32, #tpu.memory_space<vmem>> -> memref<1x128xf32, #tpu.memory_space<vmem>>
        %dma_start3A_155 = tpu.memref_squeeze %dma_start3A_154 : memref<1x128xf32, #tpu.memory_space<vmem>> -> memref<128xf32, #tpu.memory_space<vmem>>
        %dma_start3A_156 = arith.constant 0 : i32
        %dma_start3A_157 = tpu.memref_slice %arg6[%dma_start3A_152, %dma_start3A_156] : memref<56x128xi32, #tpu.memory_space<vmem>> -> memref<1x128xi32, #tpu.memory_space<vmem>>
        %dma_start3A_158 = tpu.memref_squeeze %dma_start3A_157 : memref<1x128xi32, #tpu.memory_space<vmem>> -> memref<128xi32, #tpu.memory_space<vmem>>
        %dma_start3A_159 = arith.constant 0 : i32
        %dma_start3A_160 = tpu.memref_slice %arg8[%dma_start3A_159] : memref<1024xf32, #tpu.memory_space<vmem_shared>> -> memref<1024xf32, #tpu.memory_space<vmem_shared>>
        tpu.enqueue_indirect_dma source(%dma_start3A_155 : memref<128xf32, #tpu.memory_space<vmem>>) target(%dma_start3A_160 : memref<1024xf32, #tpu.memory_space<vmem_shared>>) offsets(%dma_start3A_158 : memref<128xi32, #tpu.memory_space<vmem>>) semaphore(%arg9 : memref<!tpu.dma_semaphore, #tpu.memory_space<semaphore_mem>>) {add = true}
        %dma_start3A_161 = arith.constant 14 : i32
        %dma_start3A_162 = arith.constant 14 : i32
        %dma_start3A_163 = arith.constant 0 : i32
        %dma_start3A_164 = tpu.memref_slice %arg5[%dma_start3A_161, %dma_start3A_163] : memref<56x128xf32, #tpu.memory_space<vmem>> -> memref<1x128xf32, #tpu.memory_space<vmem>>
        %dma_start3A_165 = tpu.memref_squeeze %dma_start3A_164 : memref<1x128xf32, #tpu.memory_space<vmem>> -> memref<128xf32, #tpu.memory_space<vmem>>
        %dma_start3A_166 = arith.constant 0 : i32
        %dma_start3A_167 = tpu.memref_slice %arg6[%dma_start3A_162, %dma_start3A_166] : memref<56x128xi32, #tpu.memory_space<vmem>> -> memref<1x128xi32, #tpu.memory_space<vmem>>
        %dma_start3A_168 = tpu.memref_squeeze %dma_start3A_167 : memref<1x128xi32, #tpu.memory_space<vmem>> -> memref<128xi32, #tpu.memory_space<vmem>>
        %dma_start3A_169 = arith.constant 0 : i32
        %dma_start3A_170 = tpu.memref_slice %arg8[%dma_start3A_169] : memref<1024xf32, #tpu.memory_space<vmem_shared>> -> memref<1024xf32, #tpu.memory_space<vmem_shared>>
        tpu.enqueue_indirect_dma source(%dma_start3A_165 : memref<128xf32, #tpu.memory_space<vmem>>) target(%dma_start3A_170 : memref<1024xf32, #tpu.memory_space<vmem_shared>>) offsets(%dma_start3A_168 : memref<128xi32, #tpu.memory_space<vmem>>) semaphore(%arg9 : memref<!tpu.dma_semaphore, #tpu.memory_space<semaphore_mem>>) {add = true}
        %dma_start3A_171 = arith.constant 15 : i32
        %dma_start3A_172 = arith.constant 15 : i32
        %dma_start3A_173 = arith.constant 0 : i32
        %dma_start3A_174 = tpu.memref_slice %arg5[%dma_start3A_171, %dma_start3A_173] : memref<56x128xf32, #tpu.memory_space<vmem>> -> memref<1x128xf32, #tpu.memory_space<vmem>>
        %dma_start3A_175 = tpu.memref_squeeze %dma_start3A_174 : memref<1x128xf32, #tpu.memory_space<vmem>> -> memref<128xf32, #tpu.memory_space<vmem>>
        %dma_start3A_176 = arith.constant 0 : i32
        %dma_start3A_177 = tpu.memref_slice %arg6[%dma_start3A_172, %dma_start3A_176] : memref<56x128xi32, #tpu.memory_space<vmem>> -> memref<1x128xi32, #tpu.memory_space<vmem>>
        %dma_start3A_178 = tpu.memref_squeeze %dma_start3A_177 : memref<1x128xi32, #tpu.memory_space<vmem>> -> memref<128xi32, #tpu.memory_space<vmem>>
        %dma_start3A_179 = arith.constant 0 : i32
        %dma_start3A_180 = tpu.memref_slice %arg8[%dma_start3A_179] : memref<1024xf32, #tpu.memory_space<vmem_shared>> -> memref<1024xf32, #tpu.memory_space<vmem_shared>>
        tpu.enqueue_indirect_dma source(%dma_start3A_175 : memref<128xf32, #tpu.memory_space<vmem>>) target(%dma_start3A_180 : memref<1024xf32, #tpu.memory_space<vmem_shared>>) offsets(%dma_start3A_178 : memref<128xi32, #tpu.memory_space<vmem>>) semaphore(%arg9 : memref<!tpu.dma_semaphore, #tpu.memory_space<semaphore_mem>>) {add = true}
        %dma_start3A_181 = arith.constant 16 : i32
        %dma_start3A_182 = arith.constant 16 : i32
        %dma_start3A_183 = arith.constant 0 : i32
        %dma_start3A_184 = tpu.memref_slice %arg5[%dma_start3A_181, %dma_start3A_183] : memref<56x128xf32, #tpu.memory_space<vmem>> -> memref<1x128xf32, #tpu.memory_space<vmem>>
        %dma_start3A_185 = tpu.memref_squeeze %dma_start3A_184 : memref<1x128xf32, #tpu.memory_space<vmem>> -> memref<128xf32, #tpu.memory_space<vmem>>
        %dma_start3A_186 = arith.constant 0 : i32
        %dma_start3A_187 = tpu.memref_slice %arg6[%dma_start3A_182, %dma_start3A_186] : memref<56x128xi32, #tpu.memory_space<vmem>> -> memref<1x128xi32, #tpu.memory_space<vmem>>
        %dma_start3A_188 = tpu.memref_squeeze %dma_start3A_187 : memref<1x128xi32, #tpu.memory_space<vmem>> -> memref<128xi32, #tpu.memory_space<vmem>>
        %dma_start3A_189 = arith.constant 0 : i32
        %dma_start3A_190 = tpu.memref_slice %arg8[%dma_start3A_189] : memref<1024xf32, #tpu.memory_space<vmem_shared>> -> memref<1024xf32, #tpu.memory_space<vmem_shared>>
        tpu.enqueue_indirect_dma source(%dma_start3A_185 : memref<128xf32, #tpu.memory_space<vmem>>) target(%dma_start3A_190 : memref<1024xf32, #tpu.memory_space<vmem_shared>>) offsets(%dma_start3A_188 : memref<128xi32, #tpu.memory_space<vmem>>) semaphore(%arg9 : memref<!tpu.dma_semaphore, #tpu.memory_space<semaphore_mem>>) {add = true}
        %dma_start3A_191 = arith.constant 17 : i32
        %dma_start3A_192 = arith.constant 17 : i32
        %dma_start3A_193 = arith.constant 0 : i32
        %dma_start3A_194 = tpu.memref_slice %arg5[%dma_start3A_191, %dma_start3A_193] : memref<56x128xf32, #tpu.memory_space<vmem>> -> memref<1x128xf32, #tpu.memory_space<vmem>>
        %dma_start3A_195 = tpu.memref_squeeze %dma_start3A_194 : memref<1x128xf32, #tpu.memory_space<vmem>> -> memref<128xf32, #tpu.memory_space<vmem>>
        %dma_start3A_196 = arith.constant 0 : i32
        %dma_start3A_197 = tpu.memref_slice %arg6[%dma_start3A_192, %dma_start3A_196] : memref<56x128xi32, #tpu.memory_space<vmem>> -> memref<1x128xi32, #tpu.memory_space<vmem>>
        %dma_start3A_198 = tpu.memref_squeeze %dma_start3A_197 : memref<1x128xi32, #tpu.memory_space<vmem>> -> memref<128xi32, #tpu.memory_space<vmem>>
        %dma_start3A_199 = arith.constant 0 : i32
        %dma_start3A_200 = tpu.memref_slice %arg8[%dma_start3A_199] : memref<1024xf32, #tpu.memory_space<vmem_shared>> -> memref<1024xf32, #tpu.memory_space<vmem_shared>>
        tpu.enqueue_indirect_dma source(%dma_start3A_195 : memref<128xf32, #tpu.memory_space<vmem>>) target(%dma_start3A_200 : memref<1024xf32, #tpu.memory_space<vmem_shared>>) offsets(%dma_start3A_198 : memref<128xi32, #tpu.memory_space<vmem>>) semaphore(%arg9 : memref<!tpu.dma_semaphore, #tpu.memory_space<semaphore_mem>>) {add = true}
        %dma_start3A_201 = arith.constant 18 : i32
        %dma_start3A_202 = arith.constant 18 : i32
        %dma_start3A_203 = arith.constant 0 : i32
        %dma_start3A_204 = tpu.memref_slice %arg5[%dma_start3A_201, %dma_start3A_203] : memref<56x128xf32, #tpu.memory_space<vmem>> -> memref<1x128xf32, #tpu.memory_space<vmem>>
        %dma_start3A_205 = tpu.memref_squeeze %dma_start3A_204 : memref<1x128xf32, #tpu.memory_space<vmem>> -> memref<128xf32, #tpu.memory_space<vmem>>
        %dma_start3A_206 = arith.constant 0 : i32
        %dma_start3A_207 = tpu.memref_slice %arg6[%dma_start3A_202, %dma_start3A_206] : memref<56x128xi32, #tpu.memory_space<vmem>> -> memref<1x128xi32, #tpu.memory_space<vmem>>
        %dma_start3A_208 = tpu.memref_squeeze %dma_start3A_207 : memref<1x128xi32, #tpu.memory_space<vmem>> -> memref<128xi32, #tpu.memory_space<vmem>>
        %dma_start3A_209 = arith.constant 0 : i32
        %dma_start3A_210 = tpu.memref_slice %arg8[%dma_start3A_209] : memref<1024xf32, #tpu.memory_space<vmem_shared>> -> memref<1024xf32, #tpu.memory_space<vmem_shared>>
        tpu.enqueue_indirect_dma source(%dma_start3A_205 : memref<128xf32, #tpu.memory_space<vmem>>) target(%dma_start3A_210 : memref<1024xf32, #tpu.memory_space<vmem_shared>>) offsets(%dma_start3A_208 : memref<128xi32, #tpu.memory_space<vmem>>) semaphore(%arg9 : memref<!tpu.dma_semaphore, #tpu.memory_space<semaphore_mem>>) {add = true}
        %dma_start3A_211 = arith.constant 19 : i32
        %dma_start3A_212 = arith.constant 19 : i32
        %dma_start3A_213 = arith.constant 0 : i32
        %dma_start3A_214 = tpu.memref_slice %arg5[%dma_start3A_211, %dma_start3A_213] : memref<56x128xf32, #tpu.memory_space<vmem>> -> memref<1x128xf32, #tpu.memory_space<vmem>>
        %dma_start3A_215 = tpu.memref_squeeze %dma_start3A_214 : memref<1x128xf32, #tpu.memory_space<vmem>> -> memref<128xf32, #tpu.memory_space<vmem>>
        %dma_start3A_216 = arith.constant 0 : i32
        %dma_start3A_217 = tpu.memref_slice %arg6[%dma_start3A_212, %dma_start3A_216] : memref<56x128xi32, #tpu.memory_space<vmem>> -> memref<1x128xi32, #tpu.memory_space<vmem>>
        %dma_start3A_218 = tpu.memref_squeeze %dma_start3A_217 : memref<1x128xi32, #tpu.memory_space<vmem>> -> memref<128xi32, #tpu.memory_space<vmem>>
        %dma_start3A_219 = arith.constant 0 : i32
        %dma_start3A_220 = tpu.memref_slice %arg8[%dma_start3A_219] : memref<1024xf32, #tpu.memory_space<vmem_shared>> -> memref<1024xf32, #tpu.memory_space<vmem_shared>>
        tpu.enqueue_indirect_dma source(%dma_start3A_215 : memref<128xf32, #tpu.memory_space<vmem>>) target(%dma_start3A_220 : memref<1024xf32, #tpu.memory_space<vmem_shared>>) offsets(%dma_start3A_218 : memref<128xi32, #tpu.memory_space<vmem>>) semaphore(%arg9 : memref<!tpu.dma_semaphore, #tpu.memory_space<semaphore_mem>>) {add = true}
        %dma_start3A_221 = arith.constant 20 : i32
        %dma_start3A_222 = arith.constant 20 : i32
        %dma_start3A_223 = arith.constant 0 : i32
        %dma_start3A_224 = tpu.memref_slice %arg5[%dma_start3A_221, %dma_start3A_223] : memref<56x128xf32, #tpu.memory_space<vmem>> -> memref<1x128xf32, #tpu.memory_space<vmem>>
        %dma_start3A_225 = tpu.memref_squeeze %dma_start3A_224 : memref<1x128xf32, #tpu.memory_space<vmem>> -> memref<128xf32, #tpu.memory_space<vmem>>
        %dma_start3A_226 = arith.constant 0 : i32
        %dma_start3A_227 = tpu.memref_slice %arg6[%dma_start3A_222, %dma_start3A_226] : memref<56x128xi32, #tpu.memory_space<vmem>> -> memref<1x128xi32, #tpu.memory_space<vmem>>
        %dma_start3A_228 = tpu.memref_squeeze %dma_start3A_227 : memref<1x128xi32, #tpu.memory_space<vmem>> -> memref<128xi32, #tpu.memory_space<vmem>>
        %dma_start3A_229 = arith.constant 0 : i32
        %dma_start3A_230 = tpu.memref_slice %arg8[%dma_start3A_229] : memref<1024xf32, #tpu.memory_space<vmem_shared>> -> memref<1024xf32, #tpu.memory_space<vmem_shared>>
        tpu.enqueue_indirect_dma source(%dma_start3A_225 : memref<128xf32, #tpu.memory_space<vmem>>) target(%dma_start3A_230 : memref<1024xf32, #tpu.memory_space<vmem_shared>>) offsets(%dma_start3A_228 : memref<128xi32, #tpu.memory_space<vmem>>) semaphore(%arg9 : memref<!tpu.dma_semaphore, #tpu.memory_space<semaphore_mem>>) {add = true}
        %dma_start3A_231 = arith.constant 21 : i32
        %dma_start3A_232 = arith.constant 21 : i32
        %dma_start3A_233 = arith.constant 0 : i32
        %dma_start3A_234 = tpu.memref_slice %arg5[%dma_start3A_231, %dma_start3A_233] : memref<56x128xf32, #tpu.memory_space<vmem>> -> memref<1x128xf32, #tpu.memory_space<vmem>>
        %dma_start3A_235 = tpu.memref_squeeze %dma_start3A_234 : memref<1x128xf32, #tpu.memory_space<vmem>> -> memref<128xf32, #tpu.memory_space<vmem>>
        %dma_start3A_236 = arith.constant 0 : i32
        %dma_start3A_237 = tpu.memref_slice %arg6[%dma_start3A_232, %dma_start3A_236] : memref<56x128xi32, #tpu.memory_space<vmem>> -> memref<1x128xi32, #tpu.memory_space<vmem>>
        %dma_start3A_238 = tpu.memref_squeeze %dma_start3A_237 : memref<1x128xi32, #tpu.memory_space<vmem>> -> memref<128xi32, #tpu.memory_space<vmem>>
        %dma_start3A_239 = arith.constant 0 : i32
        %dma_start3A_240 = tpu.memref_slice %arg8[%dma_start3A_239] : memref<1024xf32, #tpu.memory_space<vmem_shared>> -> memref<1024xf32, #tpu.memory_space<vmem_shared>>
        tpu.enqueue_indirect_dma source(%dma_start3A_235 : memref<128xf32, #tpu.memory_space<vmem>>) target(%dma_start3A_240 : memref<1024xf32, #tpu.memory_space<vmem_shared>>) offsets(%dma_start3A_238 : memref<128xi32, #tpu.memory_space<vmem>>) semaphore(%arg9 : memref<!tpu.dma_semaphore, #tpu.memory_space<semaphore_mem>>) {add = true}
        %dma_start3A_241 = arith.constant 22 : i32
        %dma_start3A_242 = arith.constant 22 : i32
        %dma_start3A_243 = arith.constant 0 : i32
        %dma_start3A_244 = tpu.memref_slice %arg5[%dma_start3A_241, %dma_start3A_243] : memref<56x128xf32, #tpu.memory_space<vmem>> -> memref<1x128xf32, #tpu.memory_space<vmem>>
        %dma_start3A_245 = tpu.memref_squeeze %dma_start3A_244 : memref<1x128xf32, #tpu.memory_space<vmem>> -> memref<128xf32, #tpu.memory_space<vmem>>
        %dma_start3A_246 = arith.constant 0 : i32
        %dma_start3A_247 = tpu.memref_slice %arg6[%dma_start3A_242, %dma_start3A_246] : memref<56x128xi32, #tpu.memory_space<vmem>> -> memref<1x128xi32, #tpu.memory_space<vmem>>
        %dma_start3A_248 = tpu.memref_squeeze %dma_start3A_247 : memref<1x128xi32, #tpu.memory_space<vmem>> -> memref<128xi32, #tpu.memory_space<vmem>>
        %dma_start3A_249 = arith.constant 0 : i32
        %dma_start3A_250 = tpu.memref_slice %arg8[%dma_start3A_249] : memref<1024xf32, #tpu.memory_space<vmem_shared>> -> memref<1024xf32, #tpu.memory_space<vmem_shared>>
        tpu.enqueue_indirect_dma source(%dma_start3A_245 : memref<128xf32, #tpu.memory_space<vmem>>) target(%dma_start3A_250 : memref<1024xf32, #tpu.memory_space<vmem_shared>>) offsets(%dma_start3A_248 : memref<128xi32, #tpu.memory_space<vmem>>) semaphore(%arg9 : memref<!tpu.dma_semaphore, #tpu.memory_space<semaphore_mem>>) {add = true}
        %dma_start3A_251 = arith.constant 23 : i32
        %dma_start3A_252 = arith.constant 23 : i32
        %dma_start3A_253 = arith.constant 0 : i32
        %dma_start3A_254 = tpu.memref_slice %arg5[%dma_start3A_251, %dma_start3A_253] : memref<56x128xf32, #tpu.memory_space<vmem>> -> memref<1x128xf32, #tpu.memory_space<vmem>>
        %dma_start3A_255 = tpu.memref_squeeze %dma_start3A_254 : memref<1x128xf32, #tpu.memory_space<vmem>> -> memref<128xf32, #tpu.memory_space<vmem>>
        %dma_start3A_256 = arith.constant 0 : i32
        %dma_start3A_257 = tpu.memref_slice %arg6[%dma_start3A_252, %dma_start3A_256] : memref<56x128xi32, #tpu.memory_space<vmem>> -> memref<1x128xi32, #tpu.memory_space<vmem>>
        %dma_start3A_258 = tpu.memref_squeeze %dma_start3A_257 : memref<1x128xi32, #tpu.memory_space<vmem>> -> memref<128xi32, #tpu.memory_space<vmem>>
        %dma_start3A_259 = arith.constant 0 : i32
        %dma_start3A_260 = tpu.memref_slice %arg8[%dma_start3A_259] : memref<1024xf32, #tpu.memory_space<vmem_shared>> -> memref<1024xf32, #tpu.memory_space<vmem_shared>>
        tpu.enqueue_indirect_dma source(%dma_start3A_255 : memref<128xf32, #tpu.memory_space<vmem>>) target(%dma_start3A_260 : memref<1024xf32, #tpu.memory_space<vmem_shared>>) offsets(%dma_start3A_258 : memref<128xi32, #tpu.memory_space<vmem>>) semaphore(%arg9 : memref<!tpu.dma_semaphore, #tpu.memory_space<semaphore_mem>>) {add = true}
        %dma_start3A_261 = arith.constant 24 : i32
        %dma_start3A_262 = arith.constant 24 : i32
        %dma_start3A_263 = arith.constant 0 : i32
        %dma_start3A_264 = tpu.memref_slice %arg5[%dma_start3A_261, %dma_start3A_263] : memref<56x128xf32, #tpu.memory_space<vmem>> -> memref<1x128xf32, #tpu.memory_space<vmem>>
        %dma_start3A_265 = tpu.memref_squeeze %dma_start3A_264 : memref<1x128xf32, #tpu.memory_space<vmem>> -> memref<128xf32, #tpu.memory_space<vmem>>
        %dma_start3A_266 = arith.constant 0 : i32
        %dma_start3A_267 = tpu.memref_slice %arg6[%dma_start3A_262, %dma_start3A_266] : memref<56x128xi32, #tpu.memory_space<vmem>> -> memref<1x128xi32, #tpu.memory_space<vmem>>
        %dma_start3A_268 = tpu.memref_squeeze %dma_start3A_267 : memref<1x128xi32, #tpu.memory_space<vmem>> -> memref<128xi32, #tpu.memory_space<vmem>>
        %dma_start3A_269 = arith.constant 0 : i32
        %dma_start3A_270 = tpu.memref_slice %arg8[%dma_start3A_269] : memref<1024xf32, #tpu.memory_space<vmem_shared>> -> memref<1024xf32, #tpu.memory_space<vmem_shared>>
        tpu.enqueue_indirect_dma source(%dma_start3A_265 : memref<128xf32, #tpu.memory_space<vmem>>) target(%dma_start3A_270 : memref<1024xf32, #tpu.memory_space<vmem_shared>>) offsets(%dma_start3A_268 : memref<128xi32, #tpu.memory_space<vmem>>) semaphore(%arg9 : memref<!tpu.dma_semaphore, #tpu.memory_space<semaphore_mem>>) {add = true}
        %dma_start3A_271 = arith.constant 25 : i32
        %dma_start3A_272 = arith.constant 25 : i32
        %dma_start3A_273 = arith.constant 0 : i32
        %dma_start3A_274 = tpu.memref_slice %arg5[%dma_start3A_271, %dma_start3A_273] : memref<56x128xf32, #tpu.memory_space<vmem>> -> memref<1x128xf32, #tpu.memory_space<vmem>>
        %dma_start3A_275 = tpu.memref_squeeze %dma_start3A_274 : memref<1x128xf32, #tpu.memory_space<vmem>> -> memref<128xf32, #tpu.memory_space<vmem>>
        %dma_start3A_276 = arith.constant 0 : i32
        %dma_start3A_277 = tpu.memref_slice %arg6[%dma_start3A_272, %dma_start3A_276] : memref<56x128xi32, #tpu.memory_space<vmem>> -> memref<1x128xi32, #tpu.memory_space<vmem>>
        %dma_start3A_278 = tpu.memref_squeeze %dma_start3A_277 : memref<1x128xi32, #tpu.memory_space<vmem>> -> memref<128xi32, #tpu.memory_space<vmem>>
        %dma_start3A_279 = arith.constant 0 : i32
        %dma_start3A_280 = tpu.memref_slice %arg8[%dma_start3A_279] : memref<1024xf32, #tpu.memory_space<vmem_shared>> -> memref<1024xf32, #tpu.memory_space<vmem_shared>>
        tpu.enqueue_indirect_dma source(%dma_start3A_275 : memref<128xf32, #tpu.memory_space<vmem>>) target(%dma_start3A_280 : memref<1024xf32, #tpu.memory_space<vmem_shared>>) offsets(%dma_start3A_278 : memref<128xi32, #tpu.memory_space<vmem>>) semaphore(%arg9 : memref<!tpu.dma_semaphore, #tpu.memory_space<semaphore_mem>>) {add = true}
        %dma_start3A_281 = arith.constant 26 : i32
        %dma_start3A_282 = arith.constant 26 : i32
        %dma_start3A_283 = arith.constant 0 : i32
        %dma_start3A_284 = tpu.memref_slice %arg5[%dma_start3A_281, %dma_start3A_283] : memref<56x128xf32, #tpu.memory_space<vmem>> -> memref<1x128xf32, #tpu.memory_space<vmem>>
        %dma_start3A_285 = tpu.memref_squeeze %dma_start3A_284 : memref<1x128xf32, #tpu.memory_space<vmem>> -> memref<128xf32, #tpu.memory_space<vmem>>
        %dma_start3A_286 = arith.constant 0 : i32
        %dma_start3A_287 = tpu.memref_slice %arg6[%dma_start3A_282, %dma_start3A_286] : memref<56x128xi32, #tpu.memory_space<vmem>> -> memref<1x128xi32, #tpu.memory_space<vmem>>
        %dma_start3A_288 = tpu.memref_squeeze %dma_start3A_287 : memref<1x128xi32, #tpu.memory_space<vmem>> -> memref<128xi32, #tpu.memory_space<vmem>>
        %dma_start3A_289 = arith.constant 0 : i32
        %dma_start3A_290 = tpu.memref_slice %arg8[%dma_start3A_289] : memref<1024xf32, #tpu.memory_space<vmem_shared>> -> memref<1024xf32, #tpu.memory_space<vmem_shared>>
        tpu.enqueue_indirect_dma source(%dma_start3A_285 : memref<128xf32, #tpu.memory_space<vmem>>) target(%dma_start3A_290 : memref<1024xf32, #tpu.memory_space<vmem_shared>>) offsets(%dma_start3A_288 : memref<128xi32, #tpu.memory_space<vmem>>) semaphore(%arg9 : memref<!tpu.dma_semaphore, #tpu.memory_space<semaphore_mem>>) {add = true}
        %dma_start3A_291 = arith.constant 27 : i32
        %dma_start3A_292 = arith.constant 27 : i32
        %dma_start3A_293 = arith.constant 0 : i32
        %dma_start3A_294 = tpu.memref_slice %arg5[%dma_start3A_291, %dma_start3A_293] : memref<56x128xf32, #tpu.memory_space<vmem>> -> memref<1x128xf32, #tpu.memory_space<vmem>>
        %dma_start3A_295 = tpu.memref_squeeze %dma_start3A_294 : memref<1x128xf32, #tpu.memory_space<vmem>> -> memref<128xf32, #tpu.memory_space<vmem>>
        %dma_start3A_296 = arith.constant 0 : i32
        %dma_start3A_297 = tpu.memref_slice %arg6[%dma_start3A_292, %dma_start3A_296] : memref<56x128xi32, #tpu.memory_space<vmem>> -> memref<1x128xi32, #tpu.memory_space<vmem>>
        %dma_start3A_298 = tpu.memref_squeeze %dma_start3A_297 : memref<1x128xi32, #tpu.memory_space<vmem>> -> memref<128xi32, #tpu.memory_space<vmem>>
        %dma_start3A_299 = arith.constant 0 : i32
        %dma_start3A_300 = tpu.memref_slice %arg8[%dma_start3A_299] : memref<1024xf32, #tpu.memory_space<vmem_shared>> -> memref<1024xf32, #tpu.memory_space<vmem_shared>>
        tpu.enqueue_indirect_dma source(%dma_start3A_295 : memref<128xf32, #tpu.memory_space<vmem>>) target(%dma_start3A_300 : memref<1024xf32, #tpu.memory_space<vmem_shared>>) offsets(%dma_start3A_298 : memref<128xi32, #tpu.memory_space<vmem>>) semaphore(%arg9 : memref<!tpu.dma_semaphore, #tpu.memory_space<semaphore_mem>>) {add = true}
        %dma_start3A_301 = arith.constant 28 : i32
        %dma_start3A_302 = arith.constant 28 : i32
        %dma_start3A_303 = arith.constant 0 : i32
        %dma_start3A_304 = tpu.memref_slice %arg5[%dma_start3A_301, %dma_start3A_303] : memref<56x128xf32, #tpu.memory_space<vmem>> -> memref<1x128xf32, #tpu.memory_space<vmem>>
        %dma_start3A_305 = tpu.memref_squeeze %dma_start3A_304 : memref<1x128xf32, #tpu.memory_space<vmem>> -> memref<128xf32, #tpu.memory_space<vmem>>
        %dma_start3A_306 = arith.constant 0 : i32
        %dma_start3A_307 = tpu.memref_slice %arg6[%dma_start3A_302, %dma_start3A_306] : memref<56x128xi32, #tpu.memory_space<vmem>> -> memref<1x128xi32, #tpu.memory_space<vmem>>
        %dma_start3A_308 = tpu.memref_squeeze %dma_start3A_307 : memref<1x128xi32, #tpu.memory_space<vmem>> -> memref<128xi32, #tpu.memory_space<vmem>>
        %dma_start3A_309 = arith.constant 0 : i32
        %dma_start3A_310 = tpu.memref_slice %arg8[%dma_start3A_309] : memref<1024xf32, #tpu.memory_space<vmem_shared>> -> memref<1024xf32, #tpu.memory_space<vmem_shared>>
        tpu.enqueue_indirect_dma source(%dma_start3A_305 : memref<128xf32, #tpu.memory_space<vmem>>) target(%dma_start3A_310 : memref<1024xf32, #tpu.memory_space<vmem_shared>>) offsets(%dma_start3A_308 : memref<128xi32, #tpu.memory_space<vmem>>) semaphore(%arg9 : memref<!tpu.dma_semaphore, #tpu.memory_space<semaphore_mem>>) {add = true}
        %dma_start3A_311 = arith.constant 29 : i32
        %dma_start3A_312 = arith.constant 29 : i32
        %dma_start3A_313 = arith.constant 0 : i32
        %dma_start3A_314 = tpu.memref_slice %arg5[%dma_start3A_311, %dma_start3A_313] : memref<56x128xf32, #tpu.memory_space<vmem>> -> memref<1x128xf32, #tpu.memory_space<vmem>>
        %dma_start3A_315 = tpu.memref_squeeze %dma_start3A_314 : memref<1x128xf32, #tpu.memory_space<vmem>> -> memref<128xf32, #tpu.memory_space<vmem>>
        %dma_start3A_316 = arith.constant 0 : i32
        %dma_start3A_317 = tpu.memref_slice %arg6[%dma_start3A_312, %dma_start3A_316] : memref<56x128xi32, #tpu.memory_space<vmem>> -> memref<1x128xi32, #tpu.memory_space<vmem>>
        %dma_start3A_318 = tpu.memref_squeeze %dma_start3A_317 : memref<1x128xi32, #tpu.memory_space<vmem>> -> memref<128xi32, #tpu.memory_space<vmem>>
        %dma_start3A_319 = arith.constant 0 : i32
        %dma_start3A_320 = tpu.memref_slice %arg8[%dma_start3A_319] : memref<1024xf32, #tpu.memory_space<vmem_shared>> -> memref<1024xf32, #tpu.memory_space<vmem_shared>>
        tpu.enqueue_indirect_dma source(%dma_start3A_315 : memref<128xf32, #tpu.memory_space<vmem>>) target(%dma_start3A_320 : memref<1024xf32, #tpu.memory_space<vmem_shared>>) offsets(%dma_start3A_318 : memref<128xi32, #tpu.memory_space<vmem>>) semaphore(%arg9 : memref<!tpu.dma_semaphore, #tpu.memory_space<semaphore_mem>>) {add = true}
        %dma_start3A_321 = arith.constant 30 : i32
        %dma_start3A_322 = arith.constant 30 : i32
        %dma_start3A_323 = arith.constant 0 : i32
        %dma_start3A_324 = tpu.memref_slice %arg5[%dma_start3A_321, %dma_start3A_323] : memref<56x128xf32, #tpu.memory_space<vmem>> -> memref<1x128xf32, #tpu.memory_space<vmem>>
        %dma_start3A_325 = tpu.memref_squeeze %dma_start3A_324 : memref<1x128xf32, #tpu.memory_space<vmem>> -> memref<128xf32, #tpu.memory_space<vmem>>
        %dma_start3A_326 = arith.constant 0 : i32
        %dma_start3A_327 = tpu.memref_slice %arg6[%dma_start3A_322, %dma_start3A_326] : memref<56x128xi32, #tpu.memory_space<vmem>> -> memref<1x128xi32, #tpu.memory_space<vmem>>
        %dma_start3A_328 = tpu.memref_squeeze %dma_start3A_327 : memref<1x128xi32, #tpu.memory_space<vmem>> -> memref<128xi32, #tpu.memory_space<vmem>>
        %dma_start3A_329 = arith.constant 0 : i32
        %dma_start3A_330 = tpu.memref_slice %arg8[%dma_start3A_329] : memref<1024xf32, #tpu.memory_space<vmem_shared>> -> memref<1024xf32, #tpu.memory_space<vmem_shared>>
        tpu.enqueue_indirect_dma source(%dma_start3A_325 : memref<128xf32, #tpu.memory_space<vmem>>) target(%dma_start3A_330 : memref<1024xf32, #tpu.memory_space<vmem_shared>>) offsets(%dma_start3A_328 : memref<128xi32, #tpu.memory_space<vmem>>) semaphore(%arg9 : memref<!tpu.dma_semaphore, #tpu.memory_space<semaphore_mem>>) {add = true}
        %dma_start3A_331 = arith.constant 31 : i32
        %dma_start3A_332 = arith.constant 31 : i32
        %dma_start3A_333 = arith.constant 0 : i32
        %dma_start3A_334 = tpu.memref_slice %arg5[%dma_start3A_331, %dma_start3A_333] : memref<56x128xf32, #tpu.memory_space<vmem>> -> memref<1x128xf32, #tpu.memory_space<vmem>>
        %dma_start3A_335 = tpu.memref_squeeze %dma_start3A_334 : memref<1x128xf32, #tpu.memory_space<vmem>> -> memref<128xf32, #tpu.memory_space<vmem>>
        %dma_start3A_336 = arith.constant 0 : i32
        %dma_start3A_337 = tpu.memref_slice %arg6[%dma_start3A_332, %dma_start3A_336] : memref<56x128xi32, #tpu.memory_space<vmem>> -> memref<1x128xi32, #tpu.memory_space<vmem>>
        %dma_start3A_338 = tpu.memref_squeeze %dma_start3A_337 : memref<1x128xi32, #tpu.memory_space<vmem>> -> memref<128xi32, #tpu.memory_space<vmem>>
        %dma_start3A_339 = arith.constant 0 : i32
        %dma_start3A_340 = tpu.memref_slice %arg8[%dma_start3A_339] : memref<1024xf32, #tpu.memory_space<vmem_shared>> -> memref<1024xf32, #tpu.memory_space<vmem_shared>>
        tpu.enqueue_indirect_dma source(%dma_start3A_335 : memref<128xf32, #tpu.memory_space<vmem>>) target(%dma_start3A_340 : memref<1024xf32, #tpu.memory_space<vmem_shared>>) offsets(%dma_start3A_338 : memref<128xi32, #tpu.memory_space<vmem>>) semaphore(%arg9 : memref<!tpu.dma_semaphore, #tpu.memory_space<semaphore_mem>>) {add = true}
        %dma_start3A_341 = arith.constant 32 : i32
        %dma_start3A_342 = arith.constant 32 : i32
        %dma_start3A_343 = arith.constant 0 : i32
        %dma_start3A_344 = tpu.memref_slice %arg5[%dma_start3A_341, %dma_start3A_343] : memref<56x128xf32, #tpu.memory_space<vmem>> -> memref<1x128xf32, #tpu.memory_space<vmem>>
        %dma_start3A_345 = tpu.memref_squeeze %dma_start3A_344 : memref<1x128xf32, #tpu.memory_space<vmem>> -> memref<128xf32, #tpu.memory_space<vmem>>
        %dma_start3A_346 = arith.constant 0 : i32
        %dma_start3A_347 = tpu.memref_slice %arg6[%dma_start3A_342, %dma_start3A_346] : memref<56x128xi32, #tpu.memory_space<vmem>> -> memref<1x128xi32, #tpu.memory_space<vmem>>
        %dma_start3A_348 = tpu.memref_squeeze %dma_start3A_347 : memref<1x128xi32, #tpu.memory_space<vmem>> -> memref<128xi32, #tpu.memory_space<vmem>>
        %dma_start3A_349 = arith.constant 0 : i32
        %dma_start3A_350 = tpu.memref_slice %arg8[%dma_start3A_349] : memref<1024xf32, #tpu.memory_space<vmem_shared>> -> memref<1024xf32, #tpu.memory_space<vmem_shared>>
        tpu.enqueue_indirect_dma source(%dma_start3A_345 : memref<128xf32, #tpu.memory_space<vmem>>) target(%dma_start3A_350 : memref<1024xf32, #tpu.memory_space<vmem_shared>>) offsets(%dma_start3A_348 : memref<128xi32, #tpu.memory_space<vmem>>) semaphore(%arg9 : memref<!tpu.dma_semaphore, #tpu.memory_space<semaphore_mem>>) {add = true}
        %dma_start3A_351 = arith.constant 33 : i32
        %dma_start3A_352 = arith.constant 33 : i32
        %dma_start3A_353 = arith.constant 0 : i32
        %dma_start3A_354 = tpu.memref_slice %arg5[%dma_start3A_351, %dma_start3A_353] : memref<56x128xf32, #tpu.memory_space<vmem>> -> memref<1x128xf32, #tpu.memory_space<vmem>>
        %dma_start3A_355 = tpu.memref_squeeze %dma_start3A_354 : memref<1x128xf32, #tpu.memory_space<vmem>> -> memref<128xf32, #tpu.memory_space<vmem>>
        %dma_start3A_356 = arith.constant 0 : i32
        %dma_start3A_357 = tpu.memref_slice %arg6[%dma_start3A_352, %dma_start3A_356] : memref<56x128xi32, #tpu.memory_space<vmem>> -> memref<1x128xi32, #tpu.memory_space<vmem>>
        %dma_start3A_358 = tpu.memref_squeeze %dma_start3A_357 : memref<1x128xi32, #tpu.memory_space<vmem>> -> memref<128xi32, #tpu.memory_space<vmem>>
        %dma_start3A_359 = arith.constant 0 : i32
        %dma_start3A_360 = tpu.memref_slice %arg8[%dma_start3A_359] : memref<1024xf32, #tpu.memory_space<vmem_shared>> -> memref<1024xf32, #tpu.memory_space<vmem_shared>>
        tpu.enqueue_indirect_dma source(%dma_start3A_355 : memref<128xf32, #tpu.memory_space<vmem>>) target(%dma_start3A_360 : memref<1024xf32, #tpu.memory_space<vmem_shared>>) offsets(%dma_start3A_358 : memref<128xi32, #tpu.memory_space<vmem>>) semaphore(%arg9 : memref<!tpu.dma_semaphore, #tpu.memory_space<semaphore_mem>>) {add = true}
        %dma_start3A_361 = arith.constant 34 : i32
        %dma_start3A_362 = arith.constant 34 : i32
        %dma_start3A_363 = arith.constant 0 : i32
        %dma_start3A_364 = tpu.memref_slice %arg5[%dma_start3A_361, %dma_start3A_363] : memref<56x128xf32, #tpu.memory_space<vmem>> -> memref<1x128xf32, #tpu.memory_space<vmem>>
        %dma_start3A_365 = tpu.memref_squeeze %dma_start3A_364 : memref<1x128xf32, #tpu.memory_space<vmem>> -> memref<128xf32, #tpu.memory_space<vmem>>
        %dma_start3A_366 = arith.constant 0 : i32
        %dma_start3A_367 = tpu.memref_slice %arg6[%dma_start3A_362, %dma_start3A_366] : memref<56x128xi32, #tpu.memory_space<vmem>> -> memref<1x128xi32, #tpu.memory_space<vmem>>
        %dma_start3A_368 = tpu.memref_squeeze %dma_start3A_367 : memref<1x128xi32, #tpu.memory_space<vmem>> -> memref<128xi32, #tpu.memory_space<vmem>>
        %dma_start3A_369 = arith.constant 0 : i32
        %dma_start3A_370 = tpu.memref_slice %arg8[%dma_start3A_369] : memref<1024xf32, #tpu.memory_space<vmem_shared>> -> memref<1024xf32, #tpu.memory_space<vmem_shared>>
        tpu.enqueue_indirect_dma source(%dma_start3A_365 : memref<128xf32, #tpu.memory_space<vmem>>) target(%dma_start3A_370 : memref<1024xf32, #tpu.memory_space<vmem_shared>>) offsets(%dma_start3A_368 : memref<128xi32, #tpu.memory_space<vmem>>) semaphore(%arg9 : memref<!tpu.dma_semaphore, #tpu.memory_space<semaphore_mem>>) {add = true}
        %dma_start3A_371 = arith.constant 35 : i32
        %dma_start3A_372 = arith.constant 35 : i32
        %dma_start3A_373 = arith.constant 0 : i32
        %dma_start3A_374 = tpu.memref_slice %arg5[%dma_start3A_371, %dma_start3A_373] : memref<56x128xf32, #tpu.memory_space<vmem>> -> memref<1x128xf32, #tpu.memory_space<vmem>>
        %dma_start3A_375 = tpu.memref_squeeze %dma_start3A_374 : memref<1x128xf32, #tpu.memory_space<vmem>> -> memref<128xf32, #tpu.memory_space<vmem>>
        %dma_start3A_376 = arith.constant 0 : i32
        %dma_start3A_377 = tpu.memref_slice %arg6[%dma_start3A_372, %dma_start3A_376] : memref<56x128xi32, #tpu.memory_space<vmem>> -> memref<1x128xi32, #tpu.memory_space<vmem>>
        %dma_start3A_378 = tpu.memref_squeeze %dma_start3A_377 : memref<1x128xi32, #tpu.memory_space<vmem>> -> memref<128xi32, #tpu.memory_space<vmem>>
        %dma_start3A_379 = arith.constant 0 : i32
        %dma_start3A_380 = tpu.memref_slice %arg8[%dma_start3A_379] : memref<1024xf32, #tpu.memory_space<vmem_shared>> -> memref<1024xf32, #tpu.memory_space<vmem_shared>>
        tpu.enqueue_indirect_dma source(%dma_start3A_375 : memref<128xf32, #tpu.memory_space<vmem>>) target(%dma_start3A_380 : memref<1024xf32, #tpu.memory_space<vmem_shared>>) offsets(%dma_start3A_378 : memref<128xi32, #tpu.memory_space<vmem>>) semaphore(%arg9 : memref<!tpu.dma_semaphore, #tpu.memory_space<semaphore_mem>>) {add = true}
        %dma_start3A_381 = arith.constant 36 : i32
        %dma_start3A_382 = arith.constant 36 : i32
        %dma_start3A_383 = arith.constant 0 : i32
        %dma_start3A_384 = tpu.memref_slice %arg5[%dma_start3A_381, %dma_start3A_383] : memref<56x128xf32, #tpu.memory_space<vmem>> -> memref<1x128xf32, #tpu.memory_space<vmem>>
        %dma_start3A_385 = tpu.memref_squeeze %dma_start3A_384 : memref<1x128xf32, #tpu.memory_space<vmem>> -> memref<128xf32, #tpu.memory_space<vmem>>
        %dma_start3A_386 = arith.constant 0 : i32
        %dma_start3A_387 = tpu.memref_slice %arg6[%dma_start3A_382, %dma_start3A_386] : memref<56x128xi32, #tpu.memory_space<vmem>> -> memref<1x128xi32, #tpu.memory_space<vmem>>
        %dma_start3A_388 = tpu.memref_squeeze %dma_start3A_387 : memref<1x128xi32, #tpu.memory_space<vmem>> -> memref<128xi32, #tpu.memory_space<vmem>>
        %dma_start3A_389 = arith.constant 0 : i32
        %dma_start3A_390 = tpu.memref_slice %arg8[%dma_start3A_389] : memref<1024xf32, #tpu.memory_space<vmem_shared>> -> memref<1024xf32, #tpu.memory_space<vmem_shared>>
        tpu.enqueue_indirect_dma source(%dma_start3A_385 : memref<128xf32, #tpu.memory_space<vmem>>) target(%dma_start3A_390 : memref<1024xf32, #tpu.memory_space<vmem_shared>>) offsets(%dma_start3A_388 : memref<128xi32, #tpu.memory_space<vmem>>) semaphore(%arg9 : memref<!tpu.dma_semaphore, #tpu.memory_space<semaphore_mem>>) {add = true}
        %dma_start3A_391 = arith.constant 37 : i32
        %dma_start3A_392 = arith.constant 37 : i32
        %dma_start3A_393 = arith.constant 0 : i32
        %dma_start3A_394 = tpu.memref_slice %arg5[%dma_start3A_391, %dma_start3A_393] : memref<56x128xf32, #tpu.memory_space<vmem>> -> memref<1x128xf32, #tpu.memory_space<vmem>>
        %dma_start3A_395 = tpu.memref_squeeze %dma_start3A_394 : memref<1x128xf32, #tpu.memory_space<vmem>> -> memref<128xf32, #tpu.memory_space<vmem>>
        %dma_start3A_396 = arith.constant 0 : i32
        %dma_start3A_397 = tpu.memref_slice %arg6[%dma_start3A_392, %dma_start3A_396] : memref<56x128xi32, #tpu.memory_space<vmem>> -> memref<1x128xi32, #tpu.memory_space<vmem>>
        %dma_start3A_398 = tpu.memref_squeeze %dma_start3A_397 : memref<1x128xi32, #tpu.memory_space<vmem>> -> memref<128xi32, #tpu.memory_space<vmem>>
        %dma_start3A_399 = arith.constant 0 : i32
        %dma_start3A_400 = tpu.memref_slice %arg8[%dma_start3A_399] : memref<1024xf32, #tpu.memory_space<vmem_shared>> -> memref<1024xf32, #tpu.memory_space<vmem_shared>>
        tpu.enqueue_indirect_dma source(%dma_start3A_395 : memref<128xf32, #tpu.memory_space<vmem>>) target(%dma_start3A_400 : memref<1024xf32, #tpu.memory_space<vmem_shared>>) offsets(%dma_start3A_398 : memref<128xi32, #tpu.memory_space<vmem>>) semaphore(%arg9 : memref<!tpu.dma_semaphore, #tpu.memory_space<semaphore_mem>>) {add = true}
        %dma_start3A_401 = arith.constant 38 : i32
        %dma_start3A_402 = arith.constant 38 : i32
        %dma_start3A_403 = arith.constant 0 : i32
        %dma_start3A_404 = tpu.memref_slice %arg5[%dma_start3A_401, %dma_start3A_403] : memref<56x128xf32, #tpu.memory_space<vmem>> -> memref<1x128xf32, #tpu.memory_space<vmem>>
        %dma_start3A_405 = tpu.memref_squeeze %dma_start3A_404 : memref<1x128xf32, #tpu.memory_space<vmem>> -> memref<128xf32, #tpu.memory_space<vmem>>
        %dma_start3A_406 = arith.constant 0 : i32
        %dma_start3A_407 = tpu.memref_slice %arg6[%dma_start3A_402, %dma_start3A_406] : memref<56x128xi32, #tpu.memory_space<vmem>> -> memref<1x128xi32, #tpu.memory_space<vmem>>
        %dma_start3A_408 = tpu.memref_squeeze %dma_start3A_407 : memref<1x128xi32, #tpu.memory_space<vmem>> -> memref<128xi32, #tpu.memory_space<vmem>>
        %dma_start3A_409 = arith.constant 0 : i32
        %dma_start3A_410 = tpu.memref_slice %arg8[%dma_start3A_409] : memref<1024xf32, #tpu.memory_space<vmem_shared>> -> memref<1024xf32, #tpu.memory_space<vmem_shared>>
        tpu.enqueue_indirect_dma source(%dma_start3A_405 : memref<128xf32, #tpu.memory_space<vmem>>) target(%dma_start3A_410 : memref<1024xf32, #tpu.memory_space<vmem_shared>>) offsets(%dma_start3A_408 : memref<128xi32, #tpu.memory_space<vmem>>) semaphore(%arg9 : memref<!tpu.dma_semaphore, #tpu.memory_space<semaphore_mem>>) {add = true}
        %dma_start3A_411 = arith.constant 39 : i32
        %dma_start3A_412 = arith.constant 39 : i32
        %dma_start3A_413 = arith.constant 0 : i32
        %dma_start3A_414 = tpu.memref_slice %arg5[%dma_start3A_411, %dma_start3A_413] : memref<56x128xf32, #tpu.memory_space<vmem>> -> memref<1x128xf32, #tpu.memory_space<vmem>>
        %dma_start3A_415 = tpu.memref_squeeze %dma_start3A_414 : memref<1x128xf32, #tpu.memory_space<vmem>> -> memref<128xf32, #tpu.memory_space<vmem>>
        %dma_start3A_416 = arith.constant 0 : i32
        %dma_start3A_417 = tpu.memref_slice %arg6[%dma_start3A_412, %dma_start3A_416] : memref<56x128xi32, #tpu.memory_space<vmem>> -> memref<1x128xi32, #tpu.memory_space<vmem>>
        %dma_start3A_418 = tpu.memref_squeeze %dma_start3A_417 : memref<1x128xi32, #tpu.memory_space<vmem>> -> memref<128xi32, #tpu.memory_space<vmem>>
        %dma_start3A_419 = arith.constant 0 : i32
        %dma_start3A_420 = tpu.memref_slice %arg8[%dma_start3A_419] : memref<1024xf32, #tpu.memory_space<vmem_shared>> -> memref<1024xf32, #tpu.memory_space<vmem_shared>>
        tpu.enqueue_indirect_dma source(%dma_start3A_415 : memref<128xf32, #tpu.memory_space<vmem>>) target(%dma_start3A_420 : memref<1024xf32, #tpu.memory_space<vmem_shared>>) offsets(%dma_start3A_418 : memref<128xi32, #tpu.memory_space<vmem>>) semaphore(%arg9 : memref<!tpu.dma_semaphore, #tpu.memory_space<semaphore_mem>>) {add = true}
        %dma_start3A_421 = arith.constant 40 : i32
        %dma_start3A_422 = arith.constant 40 : i32
        %dma_start3A_423 = arith.constant 0 : i32
        %dma_start3A_424 = tpu.memref_slice %arg5[%dma_start3A_421, %dma_start3A_423] : memref<56x128xf32, #tpu.memory_space<vmem>> -> memref<1x128xf32, #tpu.memory_space<vmem>>
        %dma_start3A_425 = tpu.memref_squeeze %dma_start3A_424 : memref<1x128xf32, #tpu.memory_space<vmem>> -> memref<128xf32, #tpu.memory_space<vmem>>
        %dma_start3A_426 = arith.constant 0 : i32
        %dma_start3A_427 = tpu.memref_slice %arg6[%dma_start3A_422, %dma_start3A_426] : memref<56x128xi32, #tpu.memory_space<vmem>> -> memref<1x128xi32, #tpu.memory_space<vmem>>
        %dma_start3A_428 = tpu.memref_squeeze %dma_start3A_427 : memref<1x128xi32, #tpu.memory_space<vmem>> -> memref<128xi32, #tpu.memory_space<vmem>>
        %dma_start3A_429 = arith.constant 0 : i32
        %dma_start3A_430 = tpu.memref_slice %arg8[%dma_start3A_429] : memref<1024xf32, #tpu.memory_space<vmem_shared>> -> memref<1024xf32, #tpu.memory_space<vmem_shared>>
        tpu.enqueue_indirect_dma source(%dma_start3A_425 : memref<128xf32, #tpu.memory_space<vmem>>) target(%dma_start3A_430 : memref<1024xf32, #tpu.memory_space<vmem_shared>>) offsets(%dma_start3A_428 : memref<128xi32, #tpu.memory_space<vmem>>) semaphore(%arg9 : memref<!tpu.dma_semaphore, #tpu.memory_space<semaphore_mem>>) {add = true}
        %dma_start3A_431 = arith.constant 41 : i32
        %dma_start3A_432 = arith.constant 41 : i32
        %dma_start3A_433 = arith.constant 0 : i32
        %dma_start3A_434 = tpu.memref_slice %arg5[%dma_start3A_431, %dma_start3A_433] : memref<56x128xf32, #tpu.memory_space<vmem>> -> memref<1x128xf32, #tpu.memory_space<vmem>>
        %dma_start3A_435 = tpu.memref_squeeze %dma_start3A_434 : memref<1x128xf32, #tpu.memory_space<vmem>> -> memref<128xf32, #tpu.memory_space<vmem>>
        %dma_start3A_436 = arith.constant 0 : i32
        %dma_start3A_437 = tpu.memref_slice %arg6[%dma_start3A_432, %dma_start3A_436] : memref<56x128xi32, #tpu.memory_space<vmem>> -> memref<1x128xi32, #tpu.memory_space<vmem>>
        %dma_start3A_438 = tpu.memref_squeeze %dma_start3A_437 : memref<1x128xi32, #tpu.memory_space<vmem>> -> memref<128xi32, #tpu.memory_space<vmem>>
        %dma_start3A_439 = arith.constant 0 : i32
        %dma_start3A_440 = tpu.memref_slice %arg8[%dma_start3A_439] : memref<1024xf32, #tpu.memory_space<vmem_shared>> -> memref<1024xf32, #tpu.memory_space<vmem_shared>>
        tpu.enqueue_indirect_dma source(%dma_start3A_435 : memref<128xf32, #tpu.memory_space<vmem>>) target(%dma_start3A_440 : memref<1024xf32, #tpu.memory_space<vmem_shared>>) offsets(%dma_start3A_438 : memref<128xi32, #tpu.memory_space<vmem>>) semaphore(%arg9 : memref<!tpu.dma_semaphore, #tpu.memory_space<semaphore_mem>>) {add = true}
        %dma_start3A_441 = arith.constant 42 : i32
        %dma_start3A_442 = arith.constant 42 : i32
        %dma_start3A_443 = arith.constant 0 : i32
        %dma_start3A_444 = tpu.memref_slice %arg5[%dma_start3A_441, %dma_start3A_443] : memref<56x128xf32, #tpu.memory_space<vmem>> -> memref<1x128xf32, #tpu.memory_space<vmem>>
        %dma_start3A_445 = tpu.memref_squeeze %dma_start3A_444 : memref<1x128xf32, #tpu.memory_space<vmem>> -> memref<128xf32, #tpu.memory_space<vmem>>
        %dma_start3A_446 = arith.constant 0 : i32
        %dma_start3A_447 = tpu.memref_slice %arg6[%dma_start3A_442, %dma_start3A_446] : memref<56x128xi32, #tpu.memory_space<vmem>> -> memref<1x128xi32, #tpu.memory_space<vmem>>
        %dma_start3A_448 = tpu.memref_squeeze %dma_start3A_447 : memref<1x128xi32, #tpu.memory_space<vmem>> -> memref<128xi32, #tpu.memory_space<vmem>>
        %dma_start3A_449 = arith.constant 0 : i32
        %dma_start3A_450 = tpu.memref_slice %arg8[%dma_start3A_449] : memref<1024xf32, #tpu.memory_space<vmem_shared>> -> memref<1024xf32, #tpu.memory_space<vmem_shared>>
        tpu.enqueue_indirect_dma source(%dma_start3A_445 : memref<128xf32, #tpu.memory_space<vmem>>) target(%dma_start3A_450 : memref<1024xf32, #tpu.memory_space<vmem_shared>>) offsets(%dma_start3A_448 : memref<128xi32, #tpu.memory_space<vmem>>) semaphore(%arg9 : memref<!tpu.dma_semaphore, #tpu.memory_space<semaphore_mem>>) {add = true}
        %dma_start3A_451 = arith.constant 43 : i32
        %dma_start3A_452 = arith.constant 43 : i32
        %dma_start3A_453 = arith.constant 0 : i32
        %dma_start3A_454 = tpu.memref_slice %arg5[%dma_start3A_451, %dma_start3A_453] : memref<56x128xf32, #tpu.memory_space<vmem>> -> memref<1x128xf32, #tpu.memory_space<vmem>>
        %dma_start3A_455 = tpu.memref_squeeze %dma_start3A_454 : memref<1x128xf32, #tpu.memory_space<vmem>> -> memref<128xf32, #tpu.memory_space<vmem>>
        %dma_start3A_456 = arith.constant 0 : i32
        %dma_start3A_457 = tpu.memref_slice %arg6[%dma_start3A_452, %dma_start3A_456] : memref<56x128xi32, #tpu.memory_space<vmem>> -> memref<1x128xi32, #tpu.memory_space<vmem>>
        %dma_start3A_458 = tpu.memref_squeeze %dma_start3A_457 : memref<1x128xi32, #tpu.memory_space<vmem>> -> memref<128xi32, #tpu.memory_space<vmem>>
        %dma_start3A_459 = arith.constant 0 : i32
        %dma_start3A_460 = tpu.memref_slice %arg8[%dma_start3A_459] : memref<1024xf32, #tpu.memory_space<vmem_shared>> -> memref<1024xf32, #tpu.memory_space<vmem_shared>>
        tpu.enqueue_indirect_dma source(%dma_start3A_455 : memref<128xf32, #tpu.memory_space<vmem>>) target(%dma_start3A_460 : memref<1024xf32, #tpu.memory_space<vmem_shared>>) offsets(%dma_start3A_458 : memref<128xi32, #tpu.memory_space<vmem>>) semaphore(%arg9 : memref<!tpu.dma_semaphore, #tpu.memory_space<semaphore_mem>>) {add = true}
        %dma_start3A_461 = arith.constant 44 : i32
        %dma_start3A_462 = arith.constant 44 : i32
        %dma_start3A_463 = arith.constant 0 : i32
        %dma_start3A_464 = tpu.memref_slice %arg5[%dma_start3A_461, %dma_start3A_463] : memref<56x128xf32, #tpu.memory_space<vmem>> -> memref<1x128xf32, #tpu.memory_space<vmem>>
        %dma_start3A_465 = tpu.memref_squeeze %dma_start3A_464 : memref<1x128xf32, #tpu.memory_space<vmem>> -> memref<128xf32, #tpu.memory_space<vmem>>
        %dma_start3A_466 = arith.constant 0 : i32
        %dma_start3A_467 = tpu.memref_slice %arg6[%dma_start3A_462, %dma_start3A_466] : memref<56x128xi32, #tpu.memory_space<vmem>> -> memref<1x128xi32, #tpu.memory_space<vmem>>
        %dma_start3A_468 = tpu.memref_squeeze %dma_start3A_467 : memref<1x128xi32, #tpu.memory_space<vmem>> -> memref<128xi32, #tpu.memory_space<vmem>>
        %dma_start3A_469 = arith.constant 0 : i32
        %dma_start3A_470 = tpu.memref_slice %arg8[%dma_start3A_469] : memref<1024xf32, #tpu.memory_space<vmem_shared>> -> memref<1024xf32, #tpu.memory_space<vmem_shared>>
        tpu.enqueue_indirect_dma source(%dma_start3A_465 : memref<128xf32, #tpu.memory_space<vmem>>) target(%dma_start3A_470 : memref<1024xf32, #tpu.memory_space<vmem_shared>>) offsets(%dma_start3A_468 : memref<128xi32, #tpu.memory_space<vmem>>) semaphore(%arg9 : memref<!tpu.dma_semaphore, #tpu.memory_space<semaphore_mem>>) {add = true}
        %dma_start3A_471 = arith.constant 45 : i32
        %dma_start3A_472 = arith.constant 45 : i32
        %dma_start3A_473 = arith.constant 0 : i32
        %dma_start3A_474 = tpu.memref_slice %arg5[%dma_start3A_471, %dma_start3A_473] : memref<56x128xf32, #tpu.memory_space<vmem>> -> memref<1x128xf32, #tpu.memory_space<vmem>>
        %dma_start3A_475 = tpu.memref_squeeze %dma_start3A_474 : memref<1x128xf32, #tpu.memory_space<vmem>> -> memref<128xf32, #tpu.memory_space<vmem>>
        %dma_start3A_476 = arith.constant 0 : i32
        %dma_start3A_477 = tpu.memref_slice %arg6[%dma_start3A_472, %dma_start3A_476] : memref<56x128xi32, #tpu.memory_space<vmem>> -> memref<1x128xi32, #tpu.memory_space<vmem>>
        %dma_start3A_478 = tpu.memref_squeeze %dma_start3A_477 : memref<1x128xi32, #tpu.memory_space<vmem>> -> memref<128xi32, #tpu.memory_space<vmem>>
        %dma_start3A_479 = arith.constant 0 : i32
        %dma_start3A_480 = tpu.memref_slice %arg8[%dma_start3A_479] : memref<1024xf32, #tpu.memory_space<vmem_shared>> -> memref<1024xf32, #tpu.memory_space<vmem_shared>>
        tpu.enqueue_indirect_dma source(%dma_start3A_475 : memref<128xf32, #tpu.memory_space<vmem>>) target(%dma_start3A_480 : memref<1024xf32, #tpu.memory_space<vmem_shared>>) offsets(%dma_start3A_478 : memref<128xi32, #tpu.memory_space<vmem>>) semaphore(%arg9 : memref<!tpu.dma_semaphore, #tpu.memory_space<semaphore_mem>>) {add = true}
        %dma_start3A_481 = arith.constant 46 : i32
        %dma_start3A_482 = arith.constant 46 : i32
        %dma_start3A_483 = arith.constant 0 : i32
        %dma_start3A_484 = tpu.memref_slice %arg5[%dma_start3A_481, %dma_start3A_483] : memref<56x128xf32, #tpu.memory_space<vmem>> -> memref<1x128xf32, #tpu.memory_space<vmem>>
        %dma_start3A_485 = tpu.memref_squeeze %dma_start3A_484 : memref<1x128xf32, #tpu.memory_space<vmem>> -> memref<128xf32, #tpu.memory_space<vmem>>
        %dma_start3A_486 = arith.constant 0 : i32
        %dma_start3A_487 = tpu.memref_slice %arg6[%dma_start3A_482, %dma_start3A_486] : memref<56x128xi32, #tpu.memory_space<vmem>> -> memref<1x128xi32, #tpu.memory_space<vmem>>
        %dma_start3A_488 = tpu.memref_squeeze %dma_start3A_487 : memref<1x128xi32, #tpu.memory_space<vmem>> -> memref<128xi32, #tpu.memory_space<vmem>>
        %dma_start3A_489 = arith.constant 0 : i32
        %dma_start3A_490 = tpu.memref_slice %arg8[%dma_start3A_489] : memref<1024xf32, #tpu.memory_space<vmem_shared>> -> memref<1024xf32, #tpu.memory_space<vmem_shared>>
        tpu.enqueue_indirect_dma source(%dma_start3A_485 : memref<128xf32, #tpu.memory_space<vmem>>) target(%dma_start3A_490 : memref<1024xf32, #tpu.memory_space<vmem_shared>>) offsets(%dma_start3A_488 : memref<128xi32, #tpu.memory_space<vmem>>) semaphore(%arg9 : memref<!tpu.dma_semaphore, #tpu.memory_space<semaphore_mem>>) {add = true}
        %dma_start3A_491 = arith.constant 47 : i32
        %dma_start3A_492 = arith.constant 47 : i32
        %dma_start3A_493 = arith.constant 0 : i32
        %dma_start3A_494 = tpu.memref_slice %arg5[%dma_start3A_491, %dma_start3A_493] : memref<56x128xf32, #tpu.memory_space<vmem>> -> memref<1x128xf32, #tpu.memory_space<vmem>>
        %dma_start3A_495 = tpu.memref_squeeze %dma_start3A_494 : memref<1x128xf32, #tpu.memory_space<vmem>> -> memref<128xf32, #tpu.memory_space<vmem>>
        %dma_start3A_496 = arith.constant 0 : i32
        %dma_start3A_497 = tpu.memref_slice %arg6[%dma_start3A_492, %dma_start3A_496] : memref<56x128xi32, #tpu.memory_space<vmem>> -> memref<1x128xi32, #tpu.memory_space<vmem>>
        %dma_start3A_498 = tpu.memref_squeeze %dma_start3A_497 : memref<1x128xi32, #tpu.memory_space<vmem>> -> memref<128xi32, #tpu.memory_space<vmem>>
        %dma_start3A_499 = arith.constant 0 : i32
        %dma_start3A_500 = tpu.memref_slice %arg8[%dma_start3A_499] : memref<1024xf32, #tpu.memory_space<vmem_shared>> -> memref<1024xf32, #tpu.memory_space<vmem_shared>>
        tpu.enqueue_indirect_dma source(%dma_start3A_495 : memref<128xf32, #tpu.memory_space<vmem>>) target(%dma_start3A_500 : memref<1024xf32, #tpu.memory_space<vmem_shared>>) offsets(%dma_start3A_498 : memref<128xi32, #tpu.memory_space<vmem>>) semaphore(%arg9 : memref<!tpu.dma_semaphore, #tpu.memory_space<semaphore_mem>>) {add = true}
        %dma_start3A_501 = arith.constant 48 : i32
        %dma_start3A_502 = arith.constant 48 : i32
        %dma_start3A_503 = arith.constant 0 : i32
        %dma_start3A_504 = tpu.memref_slice %arg5[%dma_start3A_501, %dma_start3A_503] : memref<56x128xf32, #tpu.memory_space<vmem>> -> memref<1x128xf32, #tpu.memory_space<vmem>>
        %dma_start3A_505 = tpu.memref_squeeze %dma_start3A_504 : memref<1x128xf32, #tpu.memory_space<vmem>> -> memref<128xf32, #tpu.memory_space<vmem>>
        %dma_start3A_506 = arith.constant 0 : i32
        %dma_start3A_507 = tpu.memref_slice %arg6[%dma_start3A_502, %dma_start3A_506] : memref<56x128xi32, #tpu.memory_space<vmem>> -> memref<1x128xi32, #tpu.memory_space<vmem>>
        %dma_start3A_508 = tpu.memref_squeeze %dma_start3A_507 : memref<1x128xi32, #tpu.memory_space<vmem>> -> memref<128xi32, #tpu.memory_space<vmem>>
        %dma_start3A_509 = arith.constant 0 : i32
        %dma_start3A_510 = tpu.memref_slice %arg8[%dma_start3A_509] : memref<1024xf32, #tpu.memory_space<vmem_shared>> -> memref<1024xf32, #tpu.memory_space<vmem_shared>>
        tpu.enqueue_indirect_dma source(%dma_start3A_505 : memref<128xf32, #tpu.memory_space<vmem>>) target(%dma_start3A_510 : memref<1024xf32, #tpu.memory_space<vmem_shared>>) offsets(%dma_start3A_508 : memref<128xi32, #tpu.memory_space<vmem>>) semaphore(%arg9 : memref<!tpu.dma_semaphore, #tpu.memory_space<semaphore_mem>>) {add = true}
        %dma_start3A_511 = arith.constant 49 : i32
        %dma_start3A_512 = arith.constant 49 : i32
        %dma_start3A_513 = arith.constant 0 : i32
        %dma_start3A_514 = tpu.memref_slice %arg5[%dma_start3A_511, %dma_start3A_513] : memref<56x128xf32, #tpu.memory_space<vmem>> -> memref<1x128xf32, #tpu.memory_space<vmem>>
        %dma_start3A_515 = tpu.memref_squeeze %dma_start3A_514 : memref<1x128xf32, #tpu.memory_space<vmem>> -> memref<128xf32, #tpu.memory_space<vmem>>
        %dma_start3A_516 = arith.constant 0 : i32
        %dma_start3A_517 = tpu.memref_slice %arg6[%dma_start3A_512, %dma_start3A_516] : memref<56x128xi32, #tpu.memory_space<vmem>> -> memref<1x128xi32, #tpu.memory_space<vmem>>
        %dma_start3A_518 = tpu.memref_squeeze %dma_start3A_517 : memref<1x128xi32, #tpu.memory_space<vmem>> -> memref<128xi32, #tpu.memory_space<vmem>>
        %dma_start3A_519 = arith.constant 0 : i32
        %dma_start3A_520 = tpu.memref_slice %arg8[%dma_start3A_519] : memref<1024xf32, #tpu.memory_space<vmem_shared>> -> memref<1024xf32, #tpu.memory_space<vmem_shared>>
        tpu.enqueue_indirect_dma source(%dma_start3A_515 : memref<128xf32, #tpu.memory_space<vmem>>) target(%dma_start3A_520 : memref<1024xf32, #tpu.memory_space<vmem_shared>>) offsets(%dma_start3A_518 : memref<128xi32, #tpu.memory_space<vmem>>) semaphore(%arg9 : memref<!tpu.dma_semaphore, #tpu.memory_space<semaphore_mem>>) {add = true}
        %dma_start3A_521 = arith.constant 50 : i32
        %dma_start3A_522 = arith.constant 50 : i32
        %dma_start3A_523 = arith.constant 0 : i32
        %dma_start3A_524 = tpu.memref_slice %arg5[%dma_start3A_521, %dma_start3A_523] : memref<56x128xf32, #tpu.memory_space<vmem>> -> memref<1x128xf32, #tpu.memory_space<vmem>>
        %dma_start3A_525 = tpu.memref_squeeze %dma_start3A_524 : memref<1x128xf32, #tpu.memory_space<vmem>> -> memref<128xf32, #tpu.memory_space<vmem>>
        %dma_start3A_526 = arith.constant 0 : i32
        %dma_start3A_527 = tpu.memref_slice %arg6[%dma_start3A_522, %dma_start3A_526] : memref<56x128xi32, #tpu.memory_space<vmem>> -> memref<1x128xi32, #tpu.memory_space<vmem>>
        %dma_start3A_528 = tpu.memref_squeeze %dma_start3A_527 : memref<1x128xi32, #tpu.memory_space<vmem>> -> memref<128xi32, #tpu.memory_space<vmem>>
        %dma_start3A_529 = arith.constant 0 : i32
        %dma_start3A_530 = tpu.memref_slice %arg8[%dma_start3A_529] : memref<1024xf32, #tpu.memory_space<vmem_shared>> -> memref<1024xf32, #tpu.memory_space<vmem_shared>>
        tpu.enqueue_indirect_dma source(%dma_start3A_525 : memref<128xf32, #tpu.memory_space<vmem>>) target(%dma_start3A_530 : memref<1024xf32, #tpu.memory_space<vmem_shared>>) offsets(%dma_start3A_528 : memref<128xi32, #tpu.memory_space<vmem>>) semaphore(%arg9 : memref<!tpu.dma_semaphore, #tpu.memory_space<semaphore_mem>>) {add = true}
        %dma_start3A_531 = arith.constant 51 : i32
        %dma_start3A_532 = arith.constant 51 : i32
        %dma_start3A_533 = arith.constant 0 : i32
        %dma_start3A_534 = tpu.memref_slice %arg5[%dma_start3A_531, %dma_start3A_533] : memref<56x128xf32, #tpu.memory_space<vmem>> -> memref<1x128xf32, #tpu.memory_space<vmem>>
        %dma_start3A_535 = tpu.memref_squeeze %dma_start3A_534 : memref<1x128xf32, #tpu.memory_space<vmem>> -> memref<128xf32, #tpu.memory_space<vmem>>
        %dma_start3A_536 = arith.constant 0 : i32
        %dma_start3A_537 = tpu.memref_slice %arg6[%dma_start3A_532, %dma_start3A_536] : memref<56x128xi32, #tpu.memory_space<vmem>> -> memref<1x128xi32, #tpu.memory_space<vmem>>
        %dma_start3A_538 = tpu.memref_squeeze %dma_start3A_537 : memref<1x128xi32, #tpu.memory_space<vmem>> -> memref<128xi32, #tpu.memory_space<vmem>>
        %dma_start3A_539 = arith.constant 0 : i32
        %dma_start3A_540 = tpu.memref_slice %arg8[%dma_start3A_539] : memref<1024xf32, #tpu.memory_space<vmem_shared>> -> memref<1024xf32, #tpu.memory_space<vmem_shared>>
        tpu.enqueue_indirect_dma source(%dma_start3A_535 : memref<128xf32, #tpu.memory_space<vmem>>) target(%dma_start3A_540 : memref<1024xf32, #tpu.memory_space<vmem_shared>>) offsets(%dma_start3A_538 : memref<128xi32, #tpu.memory_space<vmem>>) semaphore(%arg9 : memref<!tpu.dma_semaphore, #tpu.memory_space<semaphore_mem>>) {add = true}
        %dma_start3A_541 = arith.constant 52 : i32
        %dma_start3A_542 = arith.constant 52 : i32
        %dma_start3A_543 = arith.constant 0 : i32
        %dma_start3A_544 = tpu.memref_slice %arg5[%dma_start3A_541, %dma_start3A_543] : memref<56x128xf32, #tpu.memory_space<vmem>> -> memref<1x128xf32, #tpu.memory_space<vmem>>
        %dma_start3A_545 = tpu.memref_squeeze %dma_start3A_544 : memref<1x128xf32, #tpu.memory_space<vmem>> -> memref<128xf32, #tpu.memory_space<vmem>>
        %dma_start3A_546 = arith.constant 0 : i32
        %dma_start3A_547 = tpu.memref_slice %arg6[%dma_start3A_542, %dma_start3A_546] : memref<56x128xi32, #tpu.memory_space<vmem>> -> memref<1x128xi32, #tpu.memory_space<vmem>>
        %dma_start3A_548 = tpu.memref_squeeze %dma_start3A_547 : memref<1x128xi32, #tpu.memory_space<vmem>> -> memref<128xi32, #tpu.memory_space<vmem>>
        %dma_start3A_549 = arith.constant 0 : i32
        %dma_start3A_550 = tpu.memref_slice %arg8[%dma_start3A_549] : memref<1024xf32, #tpu.memory_space<vmem_shared>> -> memref<1024xf32, #tpu.memory_space<vmem_shared>>
        tpu.enqueue_indirect_dma source(%dma_start3A_545 : memref<128xf32, #tpu.memory_space<vmem>>) target(%dma_start3A_550 : memref<1024xf32, #tpu.memory_space<vmem_shared>>) offsets(%dma_start3A_548 : memref<128xi32, #tpu.memory_space<vmem>>) semaphore(%arg9 : memref<!tpu.dma_semaphore, #tpu.memory_space<semaphore_mem>>) {add = true}
        %dma_start3A_551 = arith.constant 53 : i32
        %dma_start3A_552 = arith.constant 53 : i32
        %dma_start3A_553 = arith.constant 0 : i32
        %dma_start3A_554 = tpu.memref_slice %arg5[%dma_start3A_551, %dma_start3A_553] : memref<56x128xf32, #tpu.memory_space<vmem>> -> memref<1x128xf32, #tpu.memory_space<vmem>>
        %dma_start3A_555 = tpu.memref_squeeze %dma_start3A_554 : memref<1x128xf32, #tpu.memory_space<vmem>> -> memref<128xf32, #tpu.memory_space<vmem>>
        %dma_start3A_556 = arith.constant 0 : i32
        %dma_start3A_557 = tpu.memref_slice %arg6[%dma_start3A_552, %dma_start3A_556] : memref<56x128xi32, #tpu.memory_space<vmem>> -> memref<1x128xi32, #tpu.memory_space<vmem>>
        %dma_start3A_558 = tpu.memref_squeeze %dma_start3A_557 : memref<1x128xi32, #tpu.memory_space<vmem>> -> memref<128xi32, #tpu.memory_space<vmem>>
        %dma_start3A_559 = arith.constant 0 : i32
        %dma_start3A_560 = tpu.memref_slice %arg8[%dma_start3A_559] : memref<1024xf32, #tpu.memory_space<vmem_shared>> -> memref<1024xf32, #tpu.memory_space<vmem_shared>>
        tpu.enqueue_indirect_dma source(%dma_start3A_555 : memref<128xf32, #tpu.memory_space<vmem>>) target(%dma_start3A_560 : memref<1024xf32, #tpu.memory_space<vmem_shared>>) offsets(%dma_start3A_558 : memref<128xi32, #tpu.memory_space<vmem>>) semaphore(%arg9 : memref<!tpu.dma_semaphore, #tpu.memory_space<semaphore_mem>>) {add = true}
        %dma_start3A_561 = arith.constant 54 : i32
        %dma_start3A_562 = arith.constant 54 : i32
        %dma_start3A_563 = arith.constant 0 : i32
        %dma_start3A_564 = tpu.memref_slice %arg5[%dma_start3A_561, %dma_start3A_563] : memref<56x128xf32, #tpu.memory_space<vmem>> -> memref<1x128xf32, #tpu.memory_space<vmem>>
        %dma_start3A_565 = tpu.memref_squeeze %dma_start3A_564 : memref<1x128xf32, #tpu.memory_space<vmem>> -> memref<128xf32, #tpu.memory_space<vmem>>
        %dma_start3A_566 = arith.constant 0 : i32
        %dma_start3A_567 = tpu.memref_slice %arg6[%dma_start3A_562, %dma_start3A_566] : memref<56x128xi32, #tpu.memory_space<vmem>> -> memref<1x128xi32, #tpu.memory_space<vmem>>
        %dma_start3A_568 = tpu.memref_squeeze %dma_start3A_567 : memref<1x128xi32, #tpu.memory_space<vmem>> -> memref<128xi32, #tpu.memory_space<vmem>>
        %dma_start3A_569 = arith.constant 0 : i32
        %dma_start3A_570 = tpu.memref_slice %arg8[%dma_start3A_569] : memref<1024xf32, #tpu.memory_space<vmem_shared>> -> memref<1024xf32, #tpu.memory_space<vmem_shared>>
        tpu.enqueue_indirect_dma source(%dma_start3A_565 : memref<128xf32, #tpu.memory_space<vmem>>) target(%dma_start3A_570 : memref<1024xf32, #tpu.memory_space<vmem_shared>>) offsets(%dma_start3A_568 : memref<128xi32, #tpu.memory_space<vmem>>) semaphore(%arg9 : memref<!tpu.dma_semaphore, #tpu.memory_space<semaphore_mem>>) {add = true}
        %dma_start3A_571 = arith.constant 55 : i32
        %dma_start3A_572 = arith.constant 55 : i32
        %dma_start3A_573 = arith.constant 0 : i32
        %dma_start3A_574 = tpu.memref_slice %arg5[%dma_start3A_571, %dma_start3A_573] : memref<56x128xf32, #tpu.memory_space<vmem>> -> memref<1x128xf32, #tpu.memory_space<vmem>>
        %dma_start3A_575 = tpu.memref_squeeze %dma_start3A_574 : memref<1x128xf32, #tpu.memory_space<vmem>> -> memref<128xf32, #tpu.memory_space<vmem>>
        %dma_start3A_576 = arith.constant 0 : i32
        %dma_start3A_577 = tpu.memref_slice %arg6[%dma_start3A_572, %dma_start3A_576] : memref<56x128xi32, #tpu.memory_space<vmem>> -> memref<1x128xi32, #tpu.memory_space<vmem>>
        %dma_start3A_578 = tpu.memref_squeeze %dma_start3A_577 : memref<1x128xi32, #tpu.memory_space<vmem>> -> memref<128xi32, #tpu.memory_space<vmem>>
        %dma_start3A_579 = arith.constant 0 : i32
        %dma_start3A_580 = tpu.memref_slice %arg8[%dma_start3A_579] : memref<1024xf32, #tpu.memory_space<vmem_shared>> -> memref<1024xf32, #tpu.memory_space<vmem_shared>>
        tpu.enqueue_indirect_dma source(%dma_start3A_575 : memref<128xf32, #tpu.memory_space<vmem>>) target(%dma_start3A_580 : memref<1024xf32, #tpu.memory_space<vmem_shared>>) offsets(%dma_start3A_578 : memref<128xi32, #tpu.memory_space<vmem>>) semaphore(%arg9 : memref<!tpu.dma_semaphore, #tpu.memory_space<semaphore_mem>>) {add = true}
        %dma_wait3A = arith.constant 0 : i32
        %dma_wait3A_581 = arith.constant 0 : i32
        %dma_wait3A_582 = arith.constant 0 : i32
        %dma_wait3A_583 = tpu.memref_slice %arg5[%dma_wait3A, %dma_wait3A_582] : memref<56x128xf32, #tpu.memory_space<vmem>> -> memref<1x128xf32, #tpu.memory_space<vmem>>
        %dma_wait3A_584 = tpu.memref_squeeze %dma_wait3A_583 : memref<1x128xf32, #tpu.memory_space<vmem>> -> memref<128xf32, #tpu.memory_space<vmem>>
        %dma_wait3A_585 = arith.constant 0 : i32
        %dma_wait3A_586 = tpu.memref_slice %arg6[%dma_wait3A_581, %dma_wait3A_585] : memref<56x128xi32, #tpu.memory_space<vmem>> -> memref<1x128xi32, #tpu.memory_space<vmem>>
        %dma_wait3A_587 = tpu.memref_squeeze %dma_wait3A_586 : memref<1x128xi32, #tpu.memory_space<vmem>> -> memref<128xi32, #tpu.memory_space<vmem>>
        %dma_wait3A_588 = arith.constant 0 : i32
        %dma_wait3A_589 = tpu.memref_slice %arg8[%dma_wait3A_588] : memref<1024xf32, #tpu.memory_space<vmem_shared>> -> memref<1024xf32, #tpu.memory_space<vmem_shared>>
        tpu.wait_indirect_dma semaphore(%arg9 : memref<!tpu.dma_semaphore, #tpu.memory_space<semaphore_mem>>) src(%dma_wait3A_584 : memref<128xf32, #tpu.memory_space<vmem>>) dst(%dma_wait3A_589 : memref<1024xf32, #tpu.memory_space<vmem_shared>>)
        %dma_wait3A_590 = arith.constant 1 : i32
        %dma_wait3A_591 = arith.constant 1 : i32
        %dma_wait3A_592 = arith.constant 0 : i32
        %dma_wait3A_593 = tpu.memref_slice %arg5[%dma_wait3A_590, %dma_wait3A_592] : memref<56x128xf32, #tpu.memory_space<vmem>> -> memref<1x128xf32, #tpu.memory_space<vmem>>
        %dma_wait3A_594 = tpu.memref_squeeze %dma_wait3A_593 : memref<1x128xf32, #tpu.memory_space<vmem>> -> memref<128xf32, #tpu.memory_space<vmem>>
        %dma_wait3A_595 = arith.constant 0 : i32
        %dma_wait3A_596 = tpu.memref_slice %arg6[%dma_wait3A_591, %dma_wait3A_595] : memref<56x128xi32, #tpu.memory_space<vmem>> -> memref<1x128xi32, #tpu.memory_space<vmem>>
        %dma_wait3A_597 = tpu.memref_squeeze %dma_wait3A_596 : memref<1x128xi32, #tpu.memory_space<vmem>> -> memref<128xi32, #tpu.memory_space<vmem>>
        %dma_wait3A_598 = arith.constant 0 : i32
        %dma_wait3A_599 = tpu.memref_slice %arg8[%dma_wait3A_598] : memref<1024xf32, #tpu.memory_space<vmem_shared>> -> memref<1024xf32, #tpu.memory_space<vmem_shared>>
        tpu.wait_indirect_dma semaphore(%arg9 : memref<!tpu.dma_semaphore, #tpu.memory_space<semaphore_mem>>) src(%dma_wait3A_594 : memref<128xf32, #tpu.memory_space<vmem>>) dst(%dma_wait3A_599 : memref<1024xf32, #tpu.memory_space<vmem_shared>>)
        %dma_wait3A_600 = arith.constant 2 : i32
        %dma_wait3A_601 = arith.constant 2 : i32
        %dma_wait3A_602 = arith.constant 0 : i32
        %dma_wait3A_603 = tpu.memref_slice %arg5[%dma_wait3A_600, %dma_wait3A_602] : memref<56x128xf32, #tpu.memory_space<vmem>> -> memref<1x128xf32, #tpu.memory_space<vmem>>
        %dma_wait3A_604 = tpu.memref_squeeze %dma_wait3A_603 : memref<1x128xf32, #tpu.memory_space<vmem>> -> memref<128xf32, #tpu.memory_space<vmem>>
        %dma_wait3A_605 = arith.constant 0 : i32
        %dma_wait3A_606 = tpu.memref_slice %arg6[%dma_wait3A_601, %dma_wait3A_605] : memref<56x128xi32, #tpu.memory_space<vmem>> -> memref<1x128xi32, #tpu.memory_space<vmem>>
        %dma_wait3A_607 = tpu.memref_squeeze %dma_wait3A_606 : memref<1x128xi32, #tpu.memory_space<vmem>> -> memref<128xi32, #tpu.memory_space<vmem>>
        %dma_wait3A_608 = arith.constant 0 : i32
        %dma_wait3A_609 = tpu.memref_slice %arg8[%dma_wait3A_608] : memref<1024xf32, #tpu.memory_space<vmem_shared>> -> memref<1024xf32, #tpu.memory_space<vmem_shared>>
        tpu.wait_indirect_dma semaphore(%arg9 : memref<!tpu.dma_semaphore, #tpu.memory_space<semaphore_mem>>) src(%dma_wait3A_604 : memref<128xf32, #tpu.memory_space<vmem>>) dst(%dma_wait3A_609 : memref<1024xf32, #tpu.memory_space<vmem_shared>>)
        %dma_wait3A_610 = arith.constant 3 : i32
        %dma_wait3A_611 = arith.constant 3 : i32
        %dma_wait3A_612 = arith.constant 0 : i32
        %dma_wait3A_613 = tpu.memref_slice %arg5[%dma_wait3A_610, %dma_wait3A_612] : memref<56x128xf32, #tpu.memory_space<vmem>> -> memref<1x128xf32, #tpu.memory_space<vmem>>
        %dma_wait3A_614 = tpu.memref_squeeze %dma_wait3A_613 : memref<1x128xf32, #tpu.memory_space<vmem>> -> memref<128xf32, #tpu.memory_space<vmem>>
        %dma_wait3A_615 = arith.constant 0 : i32
        %dma_wait3A_616 = tpu.memref_slice %arg6[%dma_wait3A_611, %dma_wait3A_615] : memref<56x128xi32, #tpu.memory_space<vmem>> -> memref<1x128xi32, #tpu.memory_space<vmem>>
        %dma_wait3A_617 = tpu.memref_squeeze %dma_wait3A_616 : memref<1x128xi32, #tpu.memory_space<vmem>> -> memref<128xi32, #tpu.memory_space<vmem>>
        %dma_wait3A_618 = arith.constant 0 : i32
        %dma_wait3A_619 = tpu.memref_slice %arg8[%dma_wait3A_618] : memref<1024xf32, #tpu.memory_space<vmem_shared>> -> memref<1024xf32, #tpu.memory_space<vmem_shared>>
        tpu.wait_indirect_dma semaphore(%arg9 : memref<!tpu.dma_semaphore, #tpu.memory_space<semaphore_mem>>) src(%dma_wait3A_614 : memref<128xf32, #tpu.memory_space<vmem>>) dst(%dma_wait3A_619 : memref<1024xf32, #tpu.memory_space<vmem_shared>>)
        %dma_wait3A_620 = arith.constant 4 : i32
        %dma_wait3A_621 = arith.constant 4 : i32
        %dma_wait3A_622 = arith.constant 0 : i32
        %dma_wait3A_623 = tpu.memref_slice %arg5[%dma_wait3A_620, %dma_wait3A_622] : memref<56x128xf32, #tpu.memory_space<vmem>> -> memref<1x128xf32, #tpu.memory_space<vmem>>
        %dma_wait3A_624 = tpu.memref_squeeze %dma_wait3A_623 : memref<1x128xf32, #tpu.memory_space<vmem>> -> memref<128xf32, #tpu.memory_space<vmem>>
        %dma_wait3A_625 = arith.constant 0 : i32
        %dma_wait3A_626 = tpu.memref_slice %arg6[%dma_wait3A_621, %dma_wait3A_625] : memref<56x128xi32, #tpu.memory_space<vmem>> -> memref<1x128xi32, #tpu.memory_space<vmem>>
        %dma_wait3A_627 = tpu.memref_squeeze %dma_wait3A_626 : memref<1x128xi32, #tpu.memory_space<vmem>> -> memref<128xi32, #tpu.memory_space<vmem>>
        %dma_wait3A_628 = arith.constant 0 : i32
        %dma_wait3A_629 = tpu.memref_slice %arg8[%dma_wait3A_628] : memref<1024xf32, #tpu.memory_space<vmem_shared>> -> memref<1024xf32, #tpu.memory_space<vmem_shared>>
        tpu.wait_indirect_dma semaphore(%arg9 : memref<!tpu.dma_semaphore, #tpu.memory_space<semaphore_mem>>) src(%dma_wait3A_624 : memref<128xf32, #tpu.memory_space<vmem>>) dst(%dma_wait3A_629 : memref<1024xf32, #tpu.memory_space<vmem_shared>>)
        %dma_wait3A_630 = arith.constant 5 : i32
        %dma_wait3A_631 = arith.constant 5 : i32
        %dma_wait3A_632 = arith.constant 0 : i32
        %dma_wait3A_633 = tpu.memref_slice %arg5[%dma_wait3A_630, %dma_wait3A_632] : memref<56x128xf32, #tpu.memory_space<vmem>> -> memref<1x128xf32, #tpu.memory_space<vmem>>
        %dma_wait3A_634 = tpu.memref_squeeze %dma_wait3A_633 : memref<1x128xf32, #tpu.memory_space<vmem>> -> memref<128xf32, #tpu.memory_space<vmem>>
        %dma_wait3A_635 = arith.constant 0 : i32
        %dma_wait3A_636 = tpu.memref_slice %arg6[%dma_wait3A_631, %dma_wait3A_635] : memref<56x128xi32, #tpu.memory_space<vmem>> -> memref<1x128xi32, #tpu.memory_space<vmem>>
        %dma_wait3A_637 = tpu.memref_squeeze %dma_wait3A_636 : memref<1x128xi32, #tpu.memory_space<vmem>> -> memref<128xi32, #tpu.memory_space<vmem>>
        %dma_wait3A_638 = arith.constant 0 : i32
        %dma_wait3A_639 = tpu.memref_slice %arg8[%dma_wait3A_638] : memref<1024xf32, #tpu.memory_space<vmem_shared>> -> memref<1024xf32, #tpu.memory_space<vmem_shared>>
        tpu.wait_indirect_dma semaphore(%arg9 : memref<!tpu.dma_semaphore, #tpu.memory_space<semaphore_mem>>) src(%dma_wait3A_634 : memref<128xf32, #tpu.memory_space<vmem>>) dst(%dma_wait3A_639 : memref<1024xf32, #tpu.memory_space<vmem_shared>>)
        %dma_wait3A_640 = arith.constant 6 : i32
        %dma_wait3A_641 = arith.constant 6 : i32
        %dma_wait3A_642 = arith.constant 0 : i32
        %dma_wait3A_643 = tpu.memref_slice %arg5[%dma_wait3A_640, %dma_wait3A_642] : memref<56x128xf32, #tpu.memory_space<vmem>> -> memref<1x128xf32, #tpu.memory_space<vmem>>
        %dma_wait3A_644 = tpu.memref_squeeze %dma_wait3A_643 : memref<1x128xf32, #tpu.memory_space<vmem>> -> memref<128xf32, #tpu.memory_space<vmem>>
        %dma_wait3A_645 = arith.constant 0 : i32
        %dma_wait3A_646 = tpu.memref_slice %arg6[%dma_wait3A_641, %dma_wait3A_645] : memref<56x128xi32, #tpu.memory_space<vmem>> -> memref<1x128xi32, #tpu.memory_space<vmem>>
        %dma_wait3A_647 = tpu.memref_squeeze %dma_wait3A_646 : memref<1x128xi32, #tpu.memory_space<vmem>> -> memref<128xi32, #tpu.memory_space<vmem>>
        %dma_wait3A_648 = arith.constant 0 : i32
        %dma_wait3A_649 = tpu.memref_slice %arg8[%dma_wait3A_648] : memref<1024xf32, #tpu.memory_space<vmem_shared>> -> memref<1024xf32, #tpu.memory_space<vmem_shared>>
        tpu.wait_indirect_dma semaphore(%arg9 : memref<!tpu.dma_semaphore, #tpu.memory_space<semaphore_mem>>) src(%dma_wait3A_644 : memref<128xf32, #tpu.memory_space<vmem>>) dst(%dma_wait3A_649 : memref<1024xf32, #tpu.memory_space<vmem_shared>>)
        %dma_wait3A_650 = arith.constant 7 : i32
        %dma_wait3A_651 = arith.constant 7 : i32
        %dma_wait3A_652 = arith.constant 0 : i32
        %dma_wait3A_653 = tpu.memref_slice %arg5[%dma_wait3A_650, %dma_wait3A_652] : memref<56x128xf32, #tpu.memory_space<vmem>> -> memref<1x128xf32, #tpu.memory_space<vmem>>
        %dma_wait3A_654 = tpu.memref_squeeze %dma_wait3A_653 : memref<1x128xf32, #tpu.memory_space<vmem>> -> memref<128xf32, #tpu.memory_space<vmem>>
        %dma_wait3A_655 = arith.constant 0 : i32
        %dma_wait3A_656 = tpu.memref_slice %arg6[%dma_wait3A_651, %dma_wait3A_655] : memref<56x128xi32, #tpu.memory_space<vmem>> -> memref<1x128xi32, #tpu.memory_space<vmem>>
        %dma_wait3A_657 = tpu.memref_squeeze %dma_wait3A_656 : memref<1x128xi32, #tpu.memory_space<vmem>> -> memref<128xi32, #tpu.memory_space<vmem>>
        %dma_wait3A_658 = arith.constant 0 : i32
        %dma_wait3A_659 = tpu.memref_slice %arg8[%dma_wait3A_658] : memref<1024xf32, #tpu.memory_space<vmem_shared>> -> memref<1024xf32, #tpu.memory_space<vmem_shared>>
        tpu.wait_indirect_dma semaphore(%arg9 : memref<!tpu.dma_semaphore, #tpu.memory_space<semaphore_mem>>) src(%dma_wait3A_654 : memref<128xf32, #tpu.memory_space<vmem>>) dst(%dma_wait3A_659 : memref<1024xf32, #tpu.memory_space<vmem_shared>>)
        %dma_wait3A_660 = arith.constant 8 : i32
        %dma_wait3A_661 = arith.constant 8 : i32
        %dma_wait3A_662 = arith.constant 0 : i32
        %dma_wait3A_663 = tpu.memref_slice %arg5[%dma_wait3A_660, %dma_wait3A_662] : memref<56x128xf32, #tpu.memory_space<vmem>> -> memref<1x128xf32, #tpu.memory_space<vmem>>
        %dma_wait3A_664 = tpu.memref_squeeze %dma_wait3A_663 : memref<1x128xf32, #tpu.memory_space<vmem>> -> memref<128xf32, #tpu.memory_space<vmem>>
        %dma_wait3A_665 = arith.constant 0 : i32
        %dma_wait3A_666 = tpu.memref_slice %arg6[%dma_wait3A_661, %dma_wait3A_665] : memref<56x128xi32, #tpu.memory_space<vmem>> -> memref<1x128xi32, #tpu.memory_space<vmem>>
        %dma_wait3A_667 = tpu.memref_squeeze %dma_wait3A_666 : memref<1x128xi32, #tpu.memory_space<vmem>> -> memref<128xi32, #tpu.memory_space<vmem>>
        %dma_wait3A_668 = arith.constant 0 : i32
        %dma_wait3A_669 = tpu.memref_slice %arg8[%dma_wait3A_668] : memref<1024xf32, #tpu.memory_space<vmem_shared>> -> memref<1024xf32, #tpu.memory_space<vmem_shared>>
        tpu.wait_indirect_dma semaphore(%arg9 : memref<!tpu.dma_semaphore, #tpu.memory_space<semaphore_mem>>) src(%dma_wait3A_664 : memref<128xf32, #tpu.memory_space<vmem>>) dst(%dma_wait3A_669 : memref<1024xf32, #tpu.memory_space<vmem_shared>>)
        %dma_wait3A_670 = arith.constant 9 : i32
        %dma_wait3A_671 = arith.constant 9 : i32
        %dma_wait3A_672 = arith.constant 0 : i32
        %dma_wait3A_673 = tpu.memref_slice %arg5[%dma_wait3A_670, %dma_wait3A_672] : memref<56x128xf32, #tpu.memory_space<vmem>> -> memref<1x128xf32, #tpu.memory_space<vmem>>
        %dma_wait3A_674 = tpu.memref_squeeze %dma_wait3A_673 : memref<1x128xf32, #tpu.memory_space<vmem>> -> memref<128xf32, #tpu.memory_space<vmem>>
        %dma_wait3A_675 = arith.constant 0 : i32
        %dma_wait3A_676 = tpu.memref_slice %arg6[%dma_wait3A_671, %dma_wait3A_675] : memref<56x128xi32, #tpu.memory_space<vmem>> -> memref<1x128xi32, #tpu.memory_space<vmem>>
        %dma_wait3A_677 = tpu.memref_squeeze %dma_wait3A_676 : memref<1x128xi32, #tpu.memory_space<vmem>> -> memref<128xi32, #tpu.memory_space<vmem>>
        %dma_wait3A_678 = arith.constant 0 : i32
        %dma_wait3A_679 = tpu.memref_slice %arg8[%dma_wait3A_678] : memref<1024xf32, #tpu.memory_space<vmem_shared>> -> memref<1024xf32, #tpu.memory_space<vmem_shared>>
        tpu.wait_indirect_dma semaphore(%arg9 : memref<!tpu.dma_semaphore, #tpu.memory_space<semaphore_mem>>) src(%dma_wait3A_674 : memref<128xf32, #tpu.memory_space<vmem>>) dst(%dma_wait3A_679 : memref<1024xf32, #tpu.memory_space<vmem_shared>>)
        %dma_wait3A_680 = arith.constant 10 : i32
        %dma_wait3A_681 = arith.constant 10 : i32
        %dma_wait3A_682 = arith.constant 0 : i32
        %dma_wait3A_683 = tpu.memref_slice %arg5[%dma_wait3A_680, %dma_wait3A_682] : memref<56x128xf32, #tpu.memory_space<vmem>> -> memref<1x128xf32, #tpu.memory_space<vmem>>
        %dma_wait3A_684 = tpu.memref_squeeze %dma_wait3A_683 : memref<1x128xf32, #tpu.memory_space<vmem>> -> memref<128xf32, #tpu.memory_space<vmem>>
        %dma_wait3A_685 = arith.constant 0 : i32
        %dma_wait3A_686 = tpu.memref_slice %arg6[%dma_wait3A_681, %dma_wait3A_685] : memref<56x128xi32, #tpu.memory_space<vmem>> -> memref<1x128xi32, #tpu.memory_space<vmem>>
        %dma_wait3A_687 = tpu.memref_squeeze %dma_wait3A_686 : memref<1x128xi32, #tpu.memory_space<vmem>> -> memref<128xi32, #tpu.memory_space<vmem>>
        %dma_wait3A_688 = arith.constant 0 : i32
        %dma_wait3A_689 = tpu.memref_slice %arg8[%dma_wait3A_688] : memref<1024xf32, #tpu.memory_space<vmem_shared>> -> memref<1024xf32, #tpu.memory_space<vmem_shared>>
        tpu.wait_indirect_dma semaphore(%arg9 : memref<!tpu.dma_semaphore, #tpu.memory_space<semaphore_mem>>) src(%dma_wait3A_684 : memref<128xf32, #tpu.memory_space<vmem>>) dst(%dma_wait3A_689 : memref<1024xf32, #tpu.memory_space<vmem_shared>>)
        %dma_wait3A_690 = arith.constant 11 : i32
        %dma_wait3A_691 = arith.constant 11 : i32
        %dma_wait3A_692 = arith.constant 0 : i32
        %dma_wait3A_693 = tpu.memref_slice %arg5[%dma_wait3A_690, %dma_wait3A_692] : memref<56x128xf32, #tpu.memory_space<vmem>> -> memref<1x128xf32, #tpu.memory_space<vmem>>
        %dma_wait3A_694 = tpu.memref_squeeze %dma_wait3A_693 : memref<1x128xf32, #tpu.memory_space<vmem>> -> memref<128xf32, #tpu.memory_space<vmem>>
        %dma_wait3A_695 = arith.constant 0 : i32
        %dma_wait3A_696 = tpu.memref_slice %arg6[%dma_wait3A_691, %dma_wait3A_695] : memref<56x128xi32, #tpu.memory_space<vmem>> -> memref<1x128xi32, #tpu.memory_space<vmem>>
        %dma_wait3A_697 = tpu.memref_squeeze %dma_wait3A_696 : memref<1x128xi32, #tpu.memory_space<vmem>> -> memref<128xi32, #tpu.memory_space<vmem>>
        %dma_wait3A_698 = arith.constant 0 : i32
        %dma_wait3A_699 = tpu.memref_slice %arg8[%dma_wait3A_698] : memref<1024xf32, #tpu.memory_space<vmem_shared>> -> memref<1024xf32, #tpu.memory_space<vmem_shared>>
        tpu.wait_indirect_dma semaphore(%arg9 : memref<!tpu.dma_semaphore, #tpu.memory_space<semaphore_mem>>) src(%dma_wait3A_694 : memref<128xf32, #tpu.memory_space<vmem>>) dst(%dma_wait3A_699 : memref<1024xf32, #tpu.memory_space<vmem_shared>>)
        %dma_wait3A_700 = arith.constant 12 : i32
        %dma_wait3A_701 = arith.constant 12 : i32
        %dma_wait3A_702 = arith.constant 0 : i32
        %dma_wait3A_703 = tpu.memref_slice %arg5[%dma_wait3A_700, %dma_wait3A_702] : memref<56x128xf32, #tpu.memory_space<vmem>> -> memref<1x128xf32, #tpu.memory_space<vmem>>
        %dma_wait3A_704 = tpu.memref_squeeze %dma_wait3A_703 : memref<1x128xf32, #tpu.memory_space<vmem>> -> memref<128xf32, #tpu.memory_space<vmem>>
        %dma_wait3A_705 = arith.constant 0 : i32
        %dma_wait3A_706 = tpu.memref_slice %arg6[%dma_wait3A_701, %dma_wait3A_705] : memref<56x128xi32, #tpu.memory_space<vmem>> -> memref<1x128xi32, #tpu.memory_space<vmem>>
        %dma_wait3A_707 = tpu.memref_squeeze %dma_wait3A_706 : memref<1x128xi32, #tpu.memory_space<vmem>> -> memref<128xi32, #tpu.memory_space<vmem>>
        %dma_wait3A_708 = arith.constant 0 : i32
        %dma_wait3A_709 = tpu.memref_slice %arg8[%dma_wait3A_708] : memref<1024xf32, #tpu.memory_space<vmem_shared>> -> memref<1024xf32, #tpu.memory_space<vmem_shared>>
        tpu.wait_indirect_dma semaphore(%arg9 : memref<!tpu.dma_semaphore, #tpu.memory_space<semaphore_mem>>) src(%dma_wait3A_704 : memref<128xf32, #tpu.memory_space<vmem>>) dst(%dma_wait3A_709 : memref<1024xf32, #tpu.memory_space<vmem_shared>>)
        %dma_wait3A_710 = arith.constant 13 : i32
        %dma_wait3A_711 = arith.constant 13 : i32
        %dma_wait3A_712 = arith.constant 0 : i32
        %dma_wait3A_713 = tpu.memref_slice %arg5[%dma_wait3A_710, %dma_wait3A_712] : memref<56x128xf32, #tpu.memory_space<vmem>> -> memref<1x128xf32, #tpu.memory_space<vmem>>
        %dma_wait3A_714 = tpu.memref_squeeze %dma_wait3A_713 : memref<1x128xf32, #tpu.memory_space<vmem>> -> memref<128xf32, #tpu.memory_space<vmem>>
        %dma_wait3A_715 = arith.constant 0 : i32
        %dma_wait3A_716 = tpu.memref_slice %arg6[%dma_wait3A_711, %dma_wait3A_715] : memref<56x128xi32, #tpu.memory_space<vmem>> -> memref<1x128xi32, #tpu.memory_space<vmem>>
        %dma_wait3A_717 = tpu.memref_squeeze %dma_wait3A_716 : memref<1x128xi32, #tpu.memory_space<vmem>> -> memref<128xi32, #tpu.memory_space<vmem>>
        %dma_wait3A_718 = arith.constant 0 : i32
        %dma_wait3A_719 = tpu.memref_slice %arg8[%dma_wait3A_718] : memref<1024xf32, #tpu.memory_space<vmem_shared>> -> memref<1024xf32, #tpu.memory_space<vmem_shared>>
        tpu.wait_indirect_dma semaphore(%arg9 : memref<!tpu.dma_semaphore, #tpu.memory_space<semaphore_mem>>) src(%dma_wait3A_714 : memref<128xf32, #tpu.memory_space<vmem>>) dst(%dma_wait3A_719 : memref<1024xf32, #tpu.memory_space<vmem_shared>>)
        %dma_wait3A_720 = arith.constant 14 : i32
        %dma_wait3A_721 = arith.constant 14 : i32
        %dma_wait3A_722 = arith.constant 0 : i32
        %dma_wait3A_723 = tpu.memref_slice %arg5[%dma_wait3A_720, %dma_wait3A_722] : memref<56x128xf32, #tpu.memory_space<vmem>> -> memref<1x128xf32, #tpu.memory_space<vmem>>
        %dma_wait3A_724 = tpu.memref_squeeze %dma_wait3A_723 : memref<1x128xf32, #tpu.memory_space<vmem>> -> memref<128xf32, #tpu.memory_space<vmem>>
        %dma_wait3A_725 = arith.constant 0 : i32
        %dma_wait3A_726 = tpu.memref_slice %arg6[%dma_wait3A_721, %dma_wait3A_725] : memref<56x128xi32, #tpu.memory_space<vmem>> -> memref<1x128xi32, #tpu.memory_space<vmem>>
        %dma_wait3A_727 = tpu.memref_squeeze %dma_wait3A_726 : memref<1x128xi32, #tpu.memory_space<vmem>> -> memref<128xi32, #tpu.memory_space<vmem>>
        %dma_wait3A_728 = arith.constant 0 : i32
        %dma_wait3A_729 = tpu.memref_slice %arg8[%dma_wait3A_728] : memref<1024xf32, #tpu.memory_space<vmem_shared>> -> memref<1024xf32, #tpu.memory_space<vmem_shared>>
        tpu.wait_indirect_dma semaphore(%arg9 : memref<!tpu.dma_semaphore, #tpu.memory_space<semaphore_mem>>) src(%dma_wait3A_724 : memref<128xf32, #tpu.memory_space<vmem>>) dst(%dma_wait3A_729 : memref<1024xf32, #tpu.memory_space<vmem_shared>>)
        %dma_wait3A_730 = arith.constant 15 : i32
        %dma_wait3A_731 = arith.constant 15 : i32
        %dma_wait3A_732 = arith.constant 0 : i32
        %dma_wait3A_733 = tpu.memref_slice %arg5[%dma_wait3A_730, %dma_wait3A_732] : memref<56x128xf32, #tpu.memory_space<vmem>> -> memref<1x128xf32, #tpu.memory_space<vmem>>
        %dma_wait3A_734 = tpu.memref_squeeze %dma_wait3A_733 : memref<1x128xf32, #tpu.memory_space<vmem>> -> memref<128xf32, #tpu.memory_space<vmem>>
        %dma_wait3A_735 = arith.constant 0 : i32
        %dma_wait3A_736 = tpu.memref_slice %arg6[%dma_wait3A_731, %dma_wait3A_735] : memref<56x128xi32, #tpu.memory_space<vmem>> -> memref<1x128xi32, #tpu.memory_space<vmem>>
        %dma_wait3A_737 = tpu.memref_squeeze %dma_wait3A_736 : memref<1x128xi32, #tpu.memory_space<vmem>> -> memref<128xi32, #tpu.memory_space<vmem>>
        %dma_wait3A_738 = arith.constant 0 : i32
        %dma_wait3A_739 = tpu.memref_slice %arg8[%dma_wait3A_738] : memref<1024xf32, #tpu.memory_space<vmem_shared>> -> memref<1024xf32, #tpu.memory_space<vmem_shared>>
        tpu.wait_indirect_dma semaphore(%arg9 : memref<!tpu.dma_semaphore, #tpu.memory_space<semaphore_mem>>) src(%dma_wait3A_734 : memref<128xf32, #tpu.memory_space<vmem>>) dst(%dma_wait3A_739 : memref<1024xf32, #tpu.memory_space<vmem_shared>>)
        %dma_wait3A_740 = arith.constant 16 : i32
        %dma_wait3A_741 = arith.constant 16 : i32
        %dma_wait3A_742 = arith.constant 0 : i32
        %dma_wait3A_743 = tpu.memref_slice %arg5[%dma_wait3A_740, %dma_wait3A_742] : memref<56x128xf32, #tpu.memory_space<vmem>> -> memref<1x128xf32, #tpu.memory_space<vmem>>
        %dma_wait3A_744 = tpu.memref_squeeze %dma_wait3A_743 : memref<1x128xf32, #tpu.memory_space<vmem>> -> memref<128xf32, #tpu.memory_space<vmem>>
        %dma_wait3A_745 = arith.constant 0 : i32
        %dma_wait3A_746 = tpu.memref_slice %arg6[%dma_wait3A_741, %dma_wait3A_745] : memref<56x128xi32, #tpu.memory_space<vmem>> -> memref<1x128xi32, #tpu.memory_space<vmem>>
        %dma_wait3A_747 = tpu.memref_squeeze %dma_wait3A_746 : memref<1x128xi32, #tpu.memory_space<vmem>> -> memref<128xi32, #tpu.memory_space<vmem>>
        %dma_wait3A_748 = arith.constant 0 : i32
        %dma_wait3A_749 = tpu.memref_slice %arg8[%dma_wait3A_748] : memref<1024xf32, #tpu.memory_space<vmem_shared>> -> memref<1024xf32, #tpu.memory_space<vmem_shared>>
        tpu.wait_indirect_dma semaphore(%arg9 : memref<!tpu.dma_semaphore, #tpu.memory_space<semaphore_mem>>) src(%dma_wait3A_744 : memref<128xf32, #tpu.memory_space<vmem>>) dst(%dma_wait3A_749 : memref<1024xf32, #tpu.memory_space<vmem_shared>>)
        %dma_wait3A_750 = arith.constant 17 : i32
        %dma_wait3A_751 = arith.constant 17 : i32
        %dma_wait3A_752 = arith.constant 0 : i32
        %dma_wait3A_753 = tpu.memref_slice %arg5[%dma_wait3A_750, %dma_wait3A_752] : memref<56x128xf32, #tpu.memory_space<vmem>> -> memref<1x128xf32, #tpu.memory_space<vmem>>
        %dma_wait3A_754 = tpu.memref_squeeze %dma_wait3A_753 : memref<1x128xf32, #tpu.memory_space<vmem>> -> memref<128xf32, #tpu.memory_space<vmem>>
        %dma_wait3A_755 = arith.constant 0 : i32
        %dma_wait3A_756 = tpu.memref_slice %arg6[%dma_wait3A_751, %dma_wait3A_755] : memref<56x128xi32, #tpu.memory_space<vmem>> -> memref<1x128xi32, #tpu.memory_space<vmem>>
        %dma_wait3A_757 = tpu.memref_squeeze %dma_wait3A_756 : memref<1x128xi32, #tpu.memory_space<vmem>> -> memref<128xi32, #tpu.memory_space<vmem>>
        %dma_wait3A_758 = arith.constant 0 : i32
        %dma_wait3A_759 = tpu.memref_slice %arg8[%dma_wait3A_758] : memref<1024xf32, #tpu.memory_space<vmem_shared>> -> memref<1024xf32, #tpu.memory_space<vmem_shared>>
        tpu.wait_indirect_dma semaphore(%arg9 : memref<!tpu.dma_semaphore, #tpu.memory_space<semaphore_mem>>) src(%dma_wait3A_754 : memref<128xf32, #tpu.memory_space<vmem>>) dst(%dma_wait3A_759 : memref<1024xf32, #tpu.memory_space<vmem_shared>>)
        %dma_wait3A_760 = arith.constant 18 : i32
        %dma_wait3A_761 = arith.constant 18 : i32
        %dma_wait3A_762 = arith.constant 0 : i32
        %dma_wait3A_763 = tpu.memref_slice %arg5[%dma_wait3A_760, %dma_wait3A_762] : memref<56x128xf32, #tpu.memory_space<vmem>> -> memref<1x128xf32, #tpu.memory_space<vmem>>
        %dma_wait3A_764 = tpu.memref_squeeze %dma_wait3A_763 : memref<1x128xf32, #tpu.memory_space<vmem>> -> memref<128xf32, #tpu.memory_space<vmem>>
        %dma_wait3A_765 = arith.constant 0 : i32
        %dma_wait3A_766 = tpu.memref_slice %arg6[%dma_wait3A_761, %dma_wait3A_765] : memref<56x128xi32, #tpu.memory_space<vmem>> -> memref<1x128xi32, #tpu.memory_space<vmem>>
        %dma_wait3A_767 = tpu.memref_squeeze %dma_wait3A_766 : memref<1x128xi32, #tpu.memory_space<vmem>> -> memref<128xi32, #tpu.memory_space<vmem>>
        %dma_wait3A_768 = arith.constant 0 : i32
        %dma_wait3A_769 = tpu.memref_slice %arg8[%dma_wait3A_768] : memref<1024xf32, #tpu.memory_space<vmem_shared>> -> memref<1024xf32, #tpu.memory_space<vmem_shared>>
        tpu.wait_indirect_dma semaphore(%arg9 : memref<!tpu.dma_semaphore, #tpu.memory_space<semaphore_mem>>) src(%dma_wait3A_764 : memref<128xf32, #tpu.memory_space<vmem>>) dst(%dma_wait3A_769 : memref<1024xf32, #tpu.memory_space<vmem_shared>>)
        %dma_wait3A_770 = arith.constant 19 : i32
        %dma_wait3A_771 = arith.constant 19 : i32
        %dma_wait3A_772 = arith.constant 0 : i32
        %dma_wait3A_773 = tpu.memref_slice %arg5[%dma_wait3A_770, %dma_wait3A_772] : memref<56x128xf32, #tpu.memory_space<vmem>> -> memref<1x128xf32, #tpu.memory_space<vmem>>
        %dma_wait3A_774 = tpu.memref_squeeze %dma_wait3A_773 : memref<1x128xf32, #tpu.memory_space<vmem>> -> memref<128xf32, #tpu.memory_space<vmem>>
        %dma_wait3A_775 = arith.constant 0 : i32
        %dma_wait3A_776 = tpu.memref_slice %arg6[%dma_wait3A_771, %dma_wait3A_775] : memref<56x128xi32, #tpu.memory_space<vmem>> -> memref<1x128xi32, #tpu.memory_space<vmem>>
        %dma_wait3A_777 = tpu.memref_squeeze %dma_wait3A_776 : memref<1x128xi32, #tpu.memory_space<vmem>> -> memref<128xi32, #tpu.memory_space<vmem>>
        %dma_wait3A_778 = arith.constant 0 : i32
        %dma_wait3A_779 = tpu.memref_slice %arg8[%dma_wait3A_778] : memref<1024xf32, #tpu.memory_space<vmem_shared>> -> memref<1024xf32, #tpu.memory_space<vmem_shared>>
        tpu.wait_indirect_dma semaphore(%arg9 : memref<!tpu.dma_semaphore, #tpu.memory_space<semaphore_mem>>) src(%dma_wait3A_774 : memref<128xf32, #tpu.memory_space<vmem>>) dst(%dma_wait3A_779 : memref<1024xf32, #tpu.memory_space<vmem_shared>>)
        %dma_wait3A_780 = arith.constant 20 : i32
        %dma_wait3A_781 = arith.constant 20 : i32
        %dma_wait3A_782 = arith.constant 0 : i32
        %dma_wait3A_783 = tpu.memref_slice %arg5[%dma_wait3A_780, %dma_wait3A_782] : memref<56x128xf32, #tpu.memory_space<vmem>> -> memref<1x128xf32, #tpu.memory_space<vmem>>
        %dma_wait3A_784 = tpu.memref_squeeze %dma_wait3A_783 : memref<1x128xf32, #tpu.memory_space<vmem>> -> memref<128xf32, #tpu.memory_space<vmem>>
        %dma_wait3A_785 = arith.constant 0 : i32
        %dma_wait3A_786 = tpu.memref_slice %arg6[%dma_wait3A_781, %dma_wait3A_785] : memref<56x128xi32, #tpu.memory_space<vmem>> -> memref<1x128xi32, #tpu.memory_space<vmem>>
        %dma_wait3A_787 = tpu.memref_squeeze %dma_wait3A_786 : memref<1x128xi32, #tpu.memory_space<vmem>> -> memref<128xi32, #tpu.memory_space<vmem>>
        %dma_wait3A_788 = arith.constant 0 : i32
        %dma_wait3A_789 = tpu.memref_slice %arg8[%dma_wait3A_788] : memref<1024xf32, #tpu.memory_space<vmem_shared>> -> memref<1024xf32, #tpu.memory_space<vmem_shared>>
        tpu.wait_indirect_dma semaphore(%arg9 : memref<!tpu.dma_semaphore, #tpu.memory_space<semaphore_mem>>) src(%dma_wait3A_784 : memref<128xf32, #tpu.memory_space<vmem>>) dst(%dma_wait3A_789 : memref<1024xf32, #tpu.memory_space<vmem_shared>>)
        %dma_wait3A_790 = arith.constant 21 : i32
        %dma_wait3A_791 = arith.constant 21 : i32
        %dma_wait3A_792 = arith.constant 0 : i32
        %dma_wait3A_793 = tpu.memref_slice %arg5[%dma_wait3A_790, %dma_wait3A_792] : memref<56x128xf32, #tpu.memory_space<vmem>> -> memref<1x128xf32, #tpu.memory_space<vmem>>
        %dma_wait3A_794 = tpu.memref_squeeze %dma_wait3A_793 : memref<1x128xf32, #tpu.memory_space<vmem>> -> memref<128xf32, #tpu.memory_space<vmem>>
        %dma_wait3A_795 = arith.constant 0 : i32
        %dma_wait3A_796 = tpu.memref_slice %arg6[%dma_wait3A_791, %dma_wait3A_795] : memref<56x128xi32, #tpu.memory_space<vmem>> -> memref<1x128xi32, #tpu.memory_space<vmem>>
        %dma_wait3A_797 = tpu.memref_squeeze %dma_wait3A_796 : memref<1x128xi32, #tpu.memory_space<vmem>> -> memref<128xi32, #tpu.memory_space<vmem>>
        %dma_wait3A_798 = arith.constant 0 : i32
        %dma_wait3A_799 = tpu.memref_slice %arg8[%dma_wait3A_798] : memref<1024xf32, #tpu.memory_space<vmem_shared>> -> memref<1024xf32, #tpu.memory_space<vmem_shared>>
        tpu.wait_indirect_dma semaphore(%arg9 : memref<!tpu.dma_semaphore, #tpu.memory_space<semaphore_mem>>) src(%dma_wait3A_794 : memref<128xf32, #tpu.memory_space<vmem>>) dst(%dma_wait3A_799 : memref<1024xf32, #tpu.memory_space<vmem_shared>>)
        %dma_wait3A_800 = arith.constant 22 : i32
        %dma_wait3A_801 = arith.constant 22 : i32
        %dma_wait3A_802 = arith.constant 0 : i32
        %dma_wait3A_803 = tpu.memref_slice %arg5[%dma_wait3A_800, %dma_wait3A_802] : memref<56x128xf32, #tpu.memory_space<vmem>> -> memref<1x128xf32, #tpu.memory_space<vmem>>
        %dma_wait3A_804 = tpu.memref_squeeze %dma_wait3A_803 : memref<1x128xf32, #tpu.memory_space<vmem>> -> memref<128xf32, #tpu.memory_space<vmem>>
        %dma_wait3A_805 = arith.constant 0 : i32
        %dma_wait3A_806 = tpu.memref_slice %arg6[%dma_wait3A_801, %dma_wait3A_805] : memref<56x128xi32, #tpu.memory_space<vmem>> -> memref<1x128xi32, #tpu.memory_space<vmem>>
        %dma_wait3A_807 = tpu.memref_squeeze %dma_wait3A_806 : memref<1x128xi32, #tpu.memory_space<vmem>> -> memref<128xi32, #tpu.memory_space<vmem>>
        %dma_wait3A_808 = arith.constant 0 : i32
        %dma_wait3A_809 = tpu.memref_slice %arg8[%dma_wait3A_808] : memref<1024xf32, #tpu.memory_space<vmem_shared>> -> memref<1024xf32, #tpu.memory_space<vmem_shared>>
        tpu.wait_indirect_dma semaphore(%arg9 : memref<!tpu.dma_semaphore, #tpu.memory_space<semaphore_mem>>) src(%dma_wait3A_804 : memref<128xf32, #tpu.memory_space<vmem>>) dst(%dma_wait3A_809 : memref<1024xf32, #tpu.memory_space<vmem_shared>>)
        %dma_wait3A_810 = arith.constant 23 : i32
        %dma_wait3A_811 = arith.constant 23 : i32
        %dma_wait3A_812 = arith.constant 0 : i32
        %dma_wait3A_813 = tpu.memref_slice %arg5[%dma_wait3A_810, %dma_wait3A_812] : memref<56x128xf32, #tpu.memory_space<vmem>> -> memref<1x128xf32, #tpu.memory_space<vmem>>
        %dma_wait3A_814 = tpu.memref_squeeze %dma_wait3A_813 : memref<1x128xf32, #tpu.memory_space<vmem>> -> memref<128xf32, #tpu.memory_space<vmem>>
        %dma_wait3A_815 = arith.constant 0 : i32
        %dma_wait3A_816 = tpu.memref_slice %arg6[%dma_wait3A_811, %dma_wait3A_815] : memref<56x128xi32, #tpu.memory_space<vmem>> -> memref<1x128xi32, #tpu.memory_space<vmem>>
        %dma_wait3A_817 = tpu.memref_squeeze %dma_wait3A_816 : memref<1x128xi32, #tpu.memory_space<vmem>> -> memref<128xi32, #tpu.memory_space<vmem>>
        %dma_wait3A_818 = arith.constant 0 : i32
        %dma_wait3A_819 = tpu.memref_slice %arg8[%dma_wait3A_818] : memref<1024xf32, #tpu.memory_space<vmem_shared>> -> memref<1024xf32, #tpu.memory_space<vmem_shared>>
        tpu.wait_indirect_dma semaphore(%arg9 : memref<!tpu.dma_semaphore, #tpu.memory_space<semaphore_mem>>) src(%dma_wait3A_814 : memref<128xf32, #tpu.memory_space<vmem>>) dst(%dma_wait3A_819 : memref<1024xf32, #tpu.memory_space<vmem_shared>>)
        %dma_wait3A_820 = arith.constant 24 : i32
        %dma_wait3A_821 = arith.constant 24 : i32
        %dma_wait3A_822 = arith.constant 0 : i32
        %dma_wait3A_823 = tpu.memref_slice %arg5[%dma_wait3A_820, %dma_wait3A_822] : memref<56x128xf32, #tpu.memory_space<vmem>> -> memref<1x128xf32, #tpu.memory_space<vmem>>
        %dma_wait3A_824 = tpu.memref_squeeze %dma_wait3A_823 : memref<1x128xf32, #tpu.memory_space<vmem>> -> memref<128xf32, #tpu.memory_space<vmem>>
        %dma_wait3A_825 = arith.constant 0 : i32
        %dma_wait3A_826 = tpu.memref_slice %arg6[%dma_wait3A_821, %dma_wait3A_825] : memref<56x128xi32, #tpu.memory_space<vmem>> -> memref<1x128xi32, #tpu.memory_space<vmem>>
        %dma_wait3A_827 = tpu.memref_squeeze %dma_wait3A_826 : memref<1x128xi32, #tpu.memory_space<vmem>> -> memref<128xi32, #tpu.memory_space<vmem>>
        %dma_wait3A_828 = arith.constant 0 : i32
        %dma_wait3A_829 = tpu.memref_slice %arg8[%dma_wait3A_828] : memref<1024xf32, #tpu.memory_space<vmem_shared>> -> memref<1024xf32, #tpu.memory_space<vmem_shared>>
        tpu.wait_indirect_dma semaphore(%arg9 : memref<!tpu.dma_semaphore, #tpu.memory_space<semaphore_mem>>) src(%dma_wait3A_824 : memref<128xf32, #tpu.memory_space<vmem>>) dst(%dma_wait3A_829 : memref<1024xf32, #tpu.memory_space<vmem_shared>>)
        %dma_wait3A_830 = arith.constant 25 : i32
        %dma_wait3A_831 = arith.constant 25 : i32
        %dma_wait3A_832 = arith.constant 0 : i32
        %dma_wait3A_833 = tpu.memref_slice %arg5[%dma_wait3A_830, %dma_wait3A_832] : memref<56x128xf32, #tpu.memory_space<vmem>> -> memref<1x128xf32, #tpu.memory_space<vmem>>
        %dma_wait3A_834 = tpu.memref_squeeze %dma_wait3A_833 : memref<1x128xf32, #tpu.memory_space<vmem>> -> memref<128xf32, #tpu.memory_space<vmem>>
        %dma_wait3A_835 = arith.constant 0 : i32
        %dma_wait3A_836 = tpu.memref_slice %arg6[%dma_wait3A_831, %dma_wait3A_835] : memref<56x128xi32, #tpu.memory_space<vmem>> -> memref<1x128xi32, #tpu.memory_space<vmem>>
        %dma_wait3A_837 = tpu.memref_squeeze %dma_wait3A_836 : memref<1x128xi32, #tpu.memory_space<vmem>> -> memref<128xi32, #tpu.memory_space<vmem>>
        %dma_wait3A_838 = arith.constant 0 : i32
        %dma_wait3A_839 = tpu.memref_slice %arg8[%dma_wait3A_838] : memref<1024xf32, #tpu.memory_space<vmem_shared>> -> memref<1024xf32, #tpu.memory_space<vmem_shared>>
        tpu.wait_indirect_dma semaphore(%arg9 : memref<!tpu.dma_semaphore, #tpu.memory_space<semaphore_mem>>) src(%dma_wait3A_834 : memref<128xf32, #tpu.memory_space<vmem>>) dst(%dma_wait3A_839 : memref<1024xf32, #tpu.memory_space<vmem_shared>>)
        %dma_wait3A_840 = arith.constant 26 : i32
        %dma_wait3A_841 = arith.constant 26 : i32
        %dma_wait3A_842 = arith.constant 0 : i32
        %dma_wait3A_843 = tpu.memref_slice %arg5[%dma_wait3A_840, %dma_wait3A_842] : memref<56x128xf32, #tpu.memory_space<vmem>> -> memref<1x128xf32, #tpu.memory_space<vmem>>
        %dma_wait3A_844 = tpu.memref_squeeze %dma_wait3A_843 : memref<1x128xf32, #tpu.memory_space<vmem>> -> memref<128xf32, #tpu.memory_space<vmem>>
        %dma_wait3A_845 = arith.constant 0 : i32
        %dma_wait3A_846 = tpu.memref_slice %arg6[%dma_wait3A_841, %dma_wait3A_845] : memref<56x128xi32, #tpu.memory_space<vmem>> -> memref<1x128xi32, #tpu.memory_space<vmem>>
        %dma_wait3A_847 = tpu.memref_squeeze %dma_wait3A_846 : memref<1x128xi32, #tpu.memory_space<vmem>> -> memref<128xi32, #tpu.memory_space<vmem>>
        %dma_wait3A_848 = arith.constant 0 : i32
        %dma_wait3A_849 = tpu.memref_slice %arg8[%dma_wait3A_848] : memref<1024xf32, #tpu.memory_space<vmem_shared>> -> memref<1024xf32, #tpu.memory_space<vmem_shared>>
        tpu.wait_indirect_dma semaphore(%arg9 : memref<!tpu.dma_semaphore, #tpu.memory_space<semaphore_mem>>) src(%dma_wait3A_844 : memref<128xf32, #tpu.memory_space<vmem>>) dst(%dma_wait3A_849 : memref<1024xf32, #tpu.memory_space<vmem_shared>>)
        %dma_wait3A_850 = arith.constant 27 : i32
        %dma_wait3A_851 = arith.constant 27 : i32
        %dma_wait3A_852 = arith.constant 0 : i32
        %dma_wait3A_853 = tpu.memref_slice %arg5[%dma_wait3A_850, %dma_wait3A_852] : memref<56x128xf32, #tpu.memory_space<vmem>> -> memref<1x128xf32, #tpu.memory_space<vmem>>
        %dma_wait3A_854 = tpu.memref_squeeze %dma_wait3A_853 : memref<1x128xf32, #tpu.memory_space<vmem>> -> memref<128xf32, #tpu.memory_space<vmem>>
        %dma_wait3A_855 = arith.constant 0 : i32
        %dma_wait3A_856 = tpu.memref_slice %arg6[%dma_wait3A_851, %dma_wait3A_855] : memref<56x128xi32, #tpu.memory_space<vmem>> -> memref<1x128xi32, #tpu.memory_space<vmem>>
        %dma_wait3A_857 = tpu.memref_squeeze %dma_wait3A_856 : memref<1x128xi32, #tpu.memory_space<vmem>> -> memref<128xi32, #tpu.memory_space<vmem>>
        %dma_wait3A_858 = arith.constant 0 : i32
        %dma_wait3A_859 = tpu.memref_slice %arg8[%dma_wait3A_858] : memref<1024xf32, #tpu.memory_space<vmem_shared>> -> memref<1024xf32, #tpu.memory_space<vmem_shared>>
        tpu.wait_indirect_dma semaphore(%arg9 : memref<!tpu.dma_semaphore, #tpu.memory_space<semaphore_mem>>) src(%dma_wait3A_854 : memref<128xf32, #tpu.memory_space<vmem>>) dst(%dma_wait3A_859 : memref<1024xf32, #tpu.memory_space<vmem_shared>>)
        %dma_wait3A_860 = arith.constant 28 : i32
        %dma_wait3A_861 = arith.constant 28 : i32
        %dma_wait3A_862 = arith.constant 0 : i32
        %dma_wait3A_863 = tpu.memref_slice %arg5[%dma_wait3A_860, %dma_wait3A_862] : memref<56x128xf32, #tpu.memory_space<vmem>> -> memref<1x128xf32, #tpu.memory_space<vmem>>
        %dma_wait3A_864 = tpu.memref_squeeze %dma_wait3A_863 : memref<1x128xf32, #tpu.memory_space<vmem>> -> memref<128xf32, #tpu.memory_space<vmem>>
        %dma_wait3A_865 = arith.constant 0 : i32
        %dma_wait3A_866 = tpu.memref_slice %arg6[%dma_wait3A_861, %dma_wait3A_865] : memref<56x128xi32, #tpu.memory_space<vmem>> -> memref<1x128xi32, #tpu.memory_space<vmem>>
        %dma_wait3A_867 = tpu.memref_squeeze %dma_wait3A_866 : memref<1x128xi32, #tpu.memory_space<vmem>> -> memref<128xi32, #tpu.memory_space<vmem>>
        %dma_wait3A_868 = arith.constant 0 : i32
        %dma_wait3A_869 = tpu.memref_slice %arg8[%dma_wait3A_868] : memref<1024xf32, #tpu.memory_space<vmem_shared>> -> memref<1024xf32, #tpu.memory_space<vmem_shared>>
        tpu.wait_indirect_dma semaphore(%arg9 : memref<!tpu.dma_semaphore, #tpu.memory_space<semaphore_mem>>) src(%dma_wait3A_864 : memref<128xf32, #tpu.memory_space<vmem>>) dst(%dma_wait3A_869 : memref<1024xf32, #tpu.memory_space<vmem_shared>>)
        %dma_wait3A_870 = arith.constant 29 : i32
        %dma_wait3A_871 = arith.constant 29 : i32
        %dma_wait3A_872 = arith.constant 0 : i32
        %dma_wait3A_873 = tpu.memref_slice %arg5[%dma_wait3A_870, %dma_wait3A_872] : memref<56x128xf32, #tpu.memory_space<vmem>> -> memref<1x128xf32, #tpu.memory_space<vmem>>
        %dma_wait3A_874 = tpu.memref_squeeze %dma_wait3A_873 : memref<1x128xf32, #tpu.memory_space<vmem>> -> memref<128xf32, #tpu.memory_space<vmem>>
        %dma_wait3A_875 = arith.constant 0 : i32
        %dma_wait3A_876 = tpu.memref_slice %arg6[%dma_wait3A_871, %dma_wait3A_875] : memref<56x128xi32, #tpu.memory_space<vmem>> -> memref<1x128xi32, #tpu.memory_space<vmem>>
        %dma_wait3A_877 = tpu.memref_squeeze %dma_wait3A_876 : memref<1x128xi32, #tpu.memory_space<vmem>> -> memref<128xi32, #tpu.memory_space<vmem>>
        %dma_wait3A_878 = arith.constant 0 : i32
        %dma_wait3A_879 = tpu.memref_slice %arg8[%dma_wait3A_878] : memref<1024xf32, #tpu.memory_space<vmem_shared>> -> memref<1024xf32, #tpu.memory_space<vmem_shared>>
        tpu.wait_indirect_dma semaphore(%arg9 : memref<!tpu.dma_semaphore, #tpu.memory_space<semaphore_mem>>) src(%dma_wait3A_874 : memref<128xf32, #tpu.memory_space<vmem>>) dst(%dma_wait3A_879 : memref<1024xf32, #tpu.memory_space<vmem_shared>>)
        %dma_wait3A_880 = arith.constant 30 : i32
        %dma_wait3A_881 = arith.constant 30 : i32
        %dma_wait3A_882 = arith.constant 0 : i32
        %dma_wait3A_883 = tpu.memref_slice %arg5[%dma_wait3A_880, %dma_wait3A_882] : memref<56x128xf32, #tpu.memory_space<vmem>> -> memref<1x128xf32, #tpu.memory_space<vmem>>
        %dma_wait3A_884 = tpu.memref_squeeze %dma_wait3A_883 : memref<1x128xf32, #tpu.memory_space<vmem>> -> memref<128xf32, #tpu.memory_space<vmem>>
        %dma_wait3A_885 = arith.constant 0 : i32
        %dma_wait3A_886 = tpu.memref_slice %arg6[%dma_wait3A_881, %dma_wait3A_885] : memref<56x128xi32, #tpu.memory_space<vmem>> -> memref<1x128xi32, #tpu.memory_space<vmem>>
        %dma_wait3A_887 = tpu.memref_squeeze %dma_wait3A_886 : memref<1x128xi32, #tpu.memory_space<vmem>> -> memref<128xi32, #tpu.memory_space<vmem>>
        %dma_wait3A_888 = arith.constant 0 : i32
        %dma_wait3A_889 = tpu.memref_slice %arg8[%dma_wait3A_888] : memref<1024xf32, #tpu.memory_space<vmem_shared>> -> memref<1024xf32, #tpu.memory_space<vmem_shared>>
        tpu.wait_indirect_dma semaphore(%arg9 : memref<!tpu.dma_semaphore, #tpu.memory_space<semaphore_mem>>) src(%dma_wait3A_884 : memref<128xf32, #tpu.memory_space<vmem>>) dst(%dma_wait3A_889 : memref<1024xf32, #tpu.memory_space<vmem_shared>>)
        %dma_wait3A_890 = arith.constant 31 : i32
        %dma_wait3A_891 = arith.constant 31 : i32
        %dma_wait3A_892 = arith.constant 0 : i32
        %dma_wait3A_893 = tpu.memref_slice %arg5[%dma_wait3A_890, %dma_wait3A_892] : memref<56x128xf32, #tpu.memory_space<vmem>> -> memref<1x128xf32, #tpu.memory_space<vmem>>
        %dma_wait3A_894 = tpu.memref_squeeze %dma_wait3A_893 : memref<1x128xf32, #tpu.memory_space<vmem>> -> memref<128xf32, #tpu.memory_space<vmem>>
        %dma_wait3A_895 = arith.constant 0 : i32
        %dma_wait3A_896 = tpu.memref_slice %arg6[%dma_wait3A_891, %dma_wait3A_895] : memref<56x128xi32, #tpu.memory_space<vmem>> -> memref<1x128xi32, #tpu.memory_space<vmem>>
        %dma_wait3A_897 = tpu.memref_squeeze %dma_wait3A_896 : memref<1x128xi32, #tpu.memory_space<vmem>> -> memref<128xi32, #tpu.memory_space<vmem>>
        %dma_wait3A_898 = arith.constant 0 : i32
        %dma_wait3A_899 = tpu.memref_slice %arg8[%dma_wait3A_898] : memref<1024xf32, #tpu.memory_space<vmem_shared>> -> memref<1024xf32, #tpu.memory_space<vmem_shared>>
        tpu.wait_indirect_dma semaphore(%arg9 : memref<!tpu.dma_semaphore, #tpu.memory_space<semaphore_mem>>) src(%dma_wait3A_894 : memref<128xf32, #tpu.memory_space<vmem>>) dst(%dma_wait3A_899 : memref<1024xf32, #tpu.memory_space<vmem_shared>>)
        %dma_wait3A_900 = arith.constant 32 : i32
        %dma_wait3A_901 = arith.constant 32 : i32
        %dma_wait3A_902 = arith.constant 0 : i32
        %dma_wait3A_903 = tpu.memref_slice %arg5[%dma_wait3A_900, %dma_wait3A_902] : memref<56x128xf32, #tpu.memory_space<vmem>> -> memref<1x128xf32, #tpu.memory_space<vmem>>
        %dma_wait3A_904 = tpu.memref_squeeze %dma_wait3A_903 : memref<1x128xf32, #tpu.memory_space<vmem>> -> memref<128xf32, #tpu.memory_space<vmem>>
        %dma_wait3A_905 = arith.constant 0 : i32
        %dma_wait3A_906 = tpu.memref_slice %arg6[%dma_wait3A_901, %dma_wait3A_905] : memref<56x128xi32, #tpu.memory_space<vmem>> -> memref<1x128xi32, #tpu.memory_space<vmem>>
        %dma_wait3A_907 = tpu.memref_squeeze %dma_wait3A_906 : memref<1x128xi32, #tpu.memory_space<vmem>> -> memref<128xi32, #tpu.memory_space<vmem>>
        %dma_wait3A_908 = arith.constant 0 : i32
        %dma_wait3A_909 = tpu.memref_slice %arg8[%dma_wait3A_908] : memref<1024xf32, #tpu.memory_space<vmem_shared>> -> memref<1024xf32, #tpu.memory_space<vmem_shared>>
        tpu.wait_indirect_dma semaphore(%arg9 : memref<!tpu.dma_semaphore, #tpu.memory_space<semaphore_mem>>) src(%dma_wait3A_904 : memref<128xf32, #tpu.memory_space<vmem>>) dst(%dma_wait3A_909 : memref<1024xf32, #tpu.memory_space<vmem_shared>>)
        %dma_wait3A_910 = arith.constant 33 : i32
        %dma_wait3A_911 = arith.constant 33 : i32
        %dma_wait3A_912 = arith.constant 0 : i32
        %dma_wait3A_913 = tpu.memref_slice %arg5[%dma_wait3A_910, %dma_wait3A_912] : memref<56x128xf32, #tpu.memory_space<vmem>> -> memref<1x128xf32, #tpu.memory_space<vmem>>
        %dma_wait3A_914 = tpu.memref_squeeze %dma_wait3A_913 : memref<1x128xf32, #tpu.memory_space<vmem>> -> memref<128xf32, #tpu.memory_space<vmem>>
        %dma_wait3A_915 = arith.constant 0 : i32
        %dma_wait3A_916 = tpu.memref_slice %arg6[%dma_wait3A_911, %dma_wait3A_915] : memref<56x128xi32, #tpu.memory_space<vmem>> -> memref<1x128xi32, #tpu.memory_space<vmem>>
        %dma_wait3A_917 = tpu.memref_squeeze %dma_wait3A_916 : memref<1x128xi32, #tpu.memory_space<vmem>> -> memref<128xi32, #tpu.memory_space<vmem>>
        %dma_wait3A_918 = arith.constant 0 : i32
        %dma_wait3A_919 = tpu.memref_slice %arg8[%dma_wait3A_918] : memref<1024xf32, #tpu.memory_space<vmem_shared>> -> memref<1024xf32, #tpu.memory_space<vmem_shared>>
        tpu.wait_indirect_dma semaphore(%arg9 : memref<!tpu.dma_semaphore, #tpu.memory_space<semaphore_mem>>) src(%dma_wait3A_914 : memref<128xf32, #tpu.memory_space<vmem>>) dst(%dma_wait3A_919 : memref<1024xf32, #tpu.memory_space<vmem_shared>>)
        %dma_wait3A_920 = arith.constant 34 : i32
        %dma_wait3A_921 = arith.constant 34 : i32
        %dma_wait3A_922 = arith.constant 0 : i32
        %dma_wait3A_923 = tpu.memref_slice %arg5[%dma_wait3A_920, %dma_wait3A_922] : memref<56x128xf32, #tpu.memory_space<vmem>> -> memref<1x128xf32, #tpu.memory_space<vmem>>
        %dma_wait3A_924 = tpu.memref_squeeze %dma_wait3A_923 : memref<1x128xf32, #tpu.memory_space<vmem>> -> memref<128xf32, #tpu.memory_space<vmem>>
        %dma_wait3A_925 = arith.constant 0 : i32
        %dma_wait3A_926 = tpu.memref_slice %arg6[%dma_wait3A_921, %dma_wait3A_925] : memref<56x128xi32, #tpu.memory_space<vmem>> -> memref<1x128xi32, #tpu.memory_space<vmem>>
        %dma_wait3A_927 = tpu.memref_squeeze %dma_wait3A_926 : memref<1x128xi32, #tpu.memory_space<vmem>> -> memref<128xi32, #tpu.memory_space<vmem>>
        %dma_wait3A_928 = arith.constant 0 : i32
        %dma_wait3A_929 = tpu.memref_slice %arg8[%dma_wait3A_928] : memref<1024xf32, #tpu.memory_space<vmem_shared>> -> memref<1024xf32, #tpu.memory_space<vmem_shared>>
        tpu.wait_indirect_dma semaphore(%arg9 : memref<!tpu.dma_semaphore, #tpu.memory_space<semaphore_mem>>) src(%dma_wait3A_924 : memref<128xf32, #tpu.memory_space<vmem>>) dst(%dma_wait3A_929 : memref<1024xf32, #tpu.memory_space<vmem_shared>>)
        %dma_wait3A_930 = arith.constant 35 : i32
        %dma_wait3A_931 = arith.constant 35 : i32
        %dma_wait3A_932 = arith.constant 0 : i32
        %dma_wait3A_933 = tpu.memref_slice %arg5[%dma_wait3A_930, %dma_wait3A_932] : memref<56x128xf32, #tpu.memory_space<vmem>> -> memref<1x128xf32, #tpu.memory_space<vmem>>
        %dma_wait3A_934 = tpu.memref_squeeze %dma_wait3A_933 : memref<1x128xf32, #tpu.memory_space<vmem>> -> memref<128xf32, #tpu.memory_space<vmem>>
        %dma_wait3A_935 = arith.constant 0 : i32
        %dma_wait3A_936 = tpu.memref_slice %arg6[%dma_wait3A_931, %dma_wait3A_935] : memref<56x128xi32, #tpu.memory_space<vmem>> -> memref<1x128xi32, #tpu.memory_space<vmem>>
        %dma_wait3A_937 = tpu.memref_squeeze %dma_wait3A_936 : memref<1x128xi32, #tpu.memory_space<vmem>> -> memref<128xi32, #tpu.memory_space<vmem>>
        %dma_wait3A_938 = arith.constant 0 : i32
        %dma_wait3A_939 = tpu.memref_slice %arg8[%dma_wait3A_938] : memref<1024xf32, #tpu.memory_space<vmem_shared>> -> memref<1024xf32, #tpu.memory_space<vmem_shared>>
        tpu.wait_indirect_dma semaphore(%arg9 : memref<!tpu.dma_semaphore, #tpu.memory_space<semaphore_mem>>) src(%dma_wait3A_934 : memref<128xf32, #tpu.memory_space<vmem>>) dst(%dma_wait3A_939 : memref<1024xf32, #tpu.memory_space<vmem_shared>>)
        %dma_wait3A_940 = arith.constant 36 : i32
        %dma_wait3A_941 = arith.constant 36 : i32
        %dma_wait3A_942 = arith.constant 0 : i32
        %dma_wait3A_943 = tpu.memref_slice %arg5[%dma_wait3A_940, %dma_wait3A_942] : memref<56x128xf32, #tpu.memory_space<vmem>> -> memref<1x128xf32, #tpu.memory_space<vmem>>
        %dma_wait3A_944 = tpu.memref_squeeze %dma_wait3A_943 : memref<1x128xf32, #tpu.memory_space<vmem>> -> memref<128xf32, #tpu.memory_space<vmem>>
        %dma_wait3A_945 = arith.constant 0 : i32
        %dma_wait3A_946 = tpu.memref_slice %arg6[%dma_wait3A_941, %dma_wait3A_945] : memref<56x128xi32, #tpu.memory_space<vmem>> -> memref<1x128xi32, #tpu.memory_space<vmem>>
        %dma_wait3A_947 = tpu.memref_squeeze %dma_wait3A_946 : memref<1x128xi32, #tpu.memory_space<vmem>> -> memref<128xi32, #tpu.memory_space<vmem>>
        %dma_wait3A_948 = arith.constant 0 : i32
        %dma_wait3A_949 = tpu.memref_slice %arg8[%dma_wait3A_948] : memref<1024xf32, #tpu.memory_space<vmem_shared>> -> memref<1024xf32, #tpu.memory_space<vmem_shared>>
        tpu.wait_indirect_dma semaphore(%arg9 : memref<!tpu.dma_semaphore, #tpu.memory_space<semaphore_mem>>) src(%dma_wait3A_944 : memref<128xf32, #tpu.memory_space<vmem>>) dst(%dma_wait3A_949 : memref<1024xf32, #tpu.memory_space<vmem_shared>>)
        %dma_wait3A_950 = arith.constant 37 : i32
        %dma_wait3A_951 = arith.constant 37 : i32
        %dma_wait3A_952 = arith.constant 0 : i32
        %dma_wait3A_953 = tpu.memref_slice %arg5[%dma_wait3A_950, %dma_wait3A_952] : memref<56x128xf32, #tpu.memory_space<vmem>> -> memref<1x128xf32, #tpu.memory_space<vmem>>
        %dma_wait3A_954 = tpu.memref_squeeze %dma_wait3A_953 : memref<1x128xf32, #tpu.memory_space<vmem>> -> memref<128xf32, #tpu.memory_space<vmem>>
        %dma_wait3A_955 = arith.constant 0 : i32
        %dma_wait3A_956 = tpu.memref_slice %arg6[%dma_wait3A_951, %dma_wait3A_955] : memref<56x128xi32, #tpu.memory_space<vmem>> -> memref<1x128xi32, #tpu.memory_space<vmem>>
        %dma_wait3A_957 = tpu.memref_squeeze %dma_wait3A_956 : memref<1x128xi32, #tpu.memory_space<vmem>> -> memref<128xi32, #tpu.memory_space<vmem>>
        %dma_wait3A_958 = arith.constant 0 : i32
        %dma_wait3A_959 = tpu.memref_slice %arg8[%dma_wait3A_958] : memref<1024xf32, #tpu.memory_space<vmem_shared>> -> memref<1024xf32, #tpu.memory_space<vmem_shared>>
        tpu.wait_indirect_dma semaphore(%arg9 : memref<!tpu.dma_semaphore, #tpu.memory_space<semaphore_mem>>) src(%dma_wait3A_954 : memref<128xf32, #tpu.memory_space<vmem>>) dst(%dma_wait3A_959 : memref<1024xf32, #tpu.memory_space<vmem_shared>>)
        %dma_wait3A_960 = arith.constant 38 : i32
        %dma_wait3A_961 = arith.constant 38 : i32
        %dma_wait3A_962 = arith.constant 0 : i32
        %dma_wait3A_963 = tpu.memref_slice %arg5[%dma_wait3A_960, %dma_wait3A_962] : memref<56x128xf32, #tpu.memory_space<vmem>> -> memref<1x128xf32, #tpu.memory_space<vmem>>
        %dma_wait3A_964 = tpu.memref_squeeze %dma_wait3A_963 : memref<1x128xf32, #tpu.memory_space<vmem>> -> memref<128xf32, #tpu.memory_space<vmem>>
        %dma_wait3A_965 = arith.constant 0 : i32
        %dma_wait3A_966 = tpu.memref_slice %arg6[%dma_wait3A_961, %dma_wait3A_965] : memref<56x128xi32, #tpu.memory_space<vmem>> -> memref<1x128xi32, #tpu.memory_space<vmem>>
        %dma_wait3A_967 = tpu.memref_squeeze %dma_wait3A_966 : memref<1x128xi32, #tpu.memory_space<vmem>> -> memref<128xi32, #tpu.memory_space<vmem>>
        %dma_wait3A_968 = arith.constant 0 : i32
        %dma_wait3A_969 = tpu.memref_slice %arg8[%dma_wait3A_968] : memref<1024xf32, #tpu.memory_space<vmem_shared>> -> memref<1024xf32, #tpu.memory_space<vmem_shared>>
        tpu.wait_indirect_dma semaphore(%arg9 : memref<!tpu.dma_semaphore, #tpu.memory_space<semaphore_mem>>) src(%dma_wait3A_964 : memref<128xf32, #tpu.memory_space<vmem>>) dst(%dma_wait3A_969 : memref<1024xf32, #tpu.memory_space<vmem_shared>>)
        %dma_wait3A_970 = arith.constant 39 : i32
        %dma_wait3A_971 = arith.constant 39 : i32
        %dma_wait3A_972 = arith.constant 0 : i32
        %dma_wait3A_973 = tpu.memref_slice %arg5[%dma_wait3A_970, %dma_wait3A_972] : memref<56x128xf32, #tpu.memory_space<vmem>> -> memref<1x128xf32, #tpu.memory_space<vmem>>
        %dma_wait3A_974 = tpu.memref_squeeze %dma_wait3A_973 : memref<1x128xf32, #tpu.memory_space<vmem>> -> memref<128xf32, #tpu.memory_space<vmem>>
        %dma_wait3A_975 = arith.constant 0 : i32
        %dma_wait3A_976 = tpu.memref_slice %arg6[%dma_wait3A_971, %dma_wait3A_975] : memref<56x128xi32, #tpu.memory_space<vmem>> -> memref<1x128xi32, #tpu.memory_space<vmem>>
        %dma_wait3A_977 = tpu.memref_squeeze %dma_wait3A_976 : memref<1x128xi32, #tpu.memory_space<vmem>> -> memref<128xi32, #tpu.memory_space<vmem>>
        %dma_wait3A_978 = arith.constant 0 : i32
        %dma_wait3A_979 = tpu.memref_slice %arg8[%dma_wait3A_978] : memref<1024xf32, #tpu.memory_space<vmem_shared>> -> memref<1024xf32, #tpu.memory_space<vmem_shared>>
        tpu.wait_indirect_dma semaphore(%arg9 : memref<!tpu.dma_semaphore, #tpu.memory_space<semaphore_mem>>) src(%dma_wait3A_974 : memref<128xf32, #tpu.memory_space<vmem>>) dst(%dma_wait3A_979 : memref<1024xf32, #tpu.memory_space<vmem_shared>>)
        %dma_wait3A_980 = arith.constant 40 : i32
        %dma_wait3A_981 = arith.constant 40 : i32
        %dma_wait3A_982 = arith.constant 0 : i32
        %dma_wait3A_983 = tpu.memref_slice %arg5[%dma_wait3A_980, %dma_wait3A_982] : memref<56x128xf32, #tpu.memory_space<vmem>> -> memref<1x128xf32, #tpu.memory_space<vmem>>
        %dma_wait3A_984 = tpu.memref_squeeze %dma_wait3A_983 : memref<1x128xf32, #tpu.memory_space<vmem>> -> memref<128xf32, #tpu.memory_space<vmem>>
        %dma_wait3A_985 = arith.constant 0 : i32
        %dma_wait3A_986 = tpu.memref_slice %arg6[%dma_wait3A_981, %dma_wait3A_985] : memref<56x128xi32, #tpu.memory_space<vmem>> -> memref<1x128xi32, #tpu.memory_space<vmem>>
        %dma_wait3A_987 = tpu.memref_squeeze %dma_wait3A_986 : memref<1x128xi32, #tpu.memory_space<vmem>> -> memref<128xi32, #tpu.memory_space<vmem>>
        %dma_wait3A_988 = arith.constant 0 : i32
        %dma_wait3A_989 = tpu.memref_slice %arg8[%dma_wait3A_988] : memref<1024xf32, #tpu.memory_space<vmem_shared>> -> memref<1024xf32, #tpu.memory_space<vmem_shared>>
        tpu.wait_indirect_dma semaphore(%arg9 : memref<!tpu.dma_semaphore, #tpu.memory_space<semaphore_mem>>) src(%dma_wait3A_984 : memref<128xf32, #tpu.memory_space<vmem>>) dst(%dma_wait3A_989 : memref<1024xf32, #tpu.memory_space<vmem_shared>>)
        %dma_wait3A_990 = arith.constant 41 : i32
        %dma_wait3A_991 = arith.constant 41 : i32
        %dma_wait3A_992 = arith.constant 0 : i32
        %dma_wait3A_993 = tpu.memref_slice %arg5[%dma_wait3A_990, %dma_wait3A_992] : memref<56x128xf32, #tpu.memory_space<vmem>> -> memref<1x128xf32, #tpu.memory_space<vmem>>
        %dma_wait3A_994 = tpu.memref_squeeze %dma_wait3A_993 : memref<1x128xf32, #tpu.memory_space<vmem>> -> memref<128xf32, #tpu.memory_space<vmem>>
        %dma_wait3A_995 = arith.constant 0 : i32
        %dma_wait3A_996 = tpu.memref_slice %arg6[%dma_wait3A_991, %dma_wait3A_995] : memref<56x128xi32, #tpu.memory_space<vmem>> -> memref<1x128xi32, #tpu.memory_space<vmem>>
        %dma_wait3A_997 = tpu.memref_squeeze %dma_wait3A_996 : memref<1x128xi32, #tpu.memory_space<vmem>> -> memref<128xi32, #tpu.memory_space<vmem>>
        %dma_wait3A_998 = arith.constant 0 : i32
        %dma_wait3A_999 = tpu.memref_slice %arg8[%dma_wait3A_998] : memref<1024xf32, #tpu.memory_space<vmem_shared>> -> memref<1024xf32, #tpu.memory_space<vmem_shared>>
        tpu.wait_indirect_dma semaphore(%arg9 : memref<!tpu.dma_semaphore, #tpu.memory_space<semaphore_mem>>) src(%dma_wait3A_994 : memref<128xf32, #tpu.memory_space<vmem>>) dst(%dma_wait3A_999 : memref<1024xf32, #tpu.memory_space<vmem_shared>>)
        %dma_wait3A_1000 = arith.constant 42 : i32
        %dma_wait3A_1001 = arith.constant 42 : i32
        %dma_wait3A_1002 = arith.constant 0 : i32
        %dma_wait3A_1003 = tpu.memref_slice %arg5[%dma_wait3A_1000, %dma_wait3A_1002] : memref<56x128xf32, #tpu.memory_space<vmem>> -> memref<1x128xf32, #tpu.memory_space<vmem>>
        %dma_wait3A_1004 = tpu.memref_squeeze %dma_wait3A_1003 : memref<1x128xf32, #tpu.memory_space<vmem>> -> memref<128xf32, #tpu.memory_space<vmem>>
        %dma_wait3A_1005 = arith.constant 0 : i32
        %dma_wait3A_1006 = tpu.memref_slice %arg6[%dma_wait3A_1001, %dma_wait3A_1005] : memref<56x128xi32, #tpu.memory_space<vmem>> -> memref<1x128xi32, #tpu.memory_space<vmem>>
        %dma_wait3A_1007 = tpu.memref_squeeze %dma_wait3A_1006 : memref<1x128xi32, #tpu.memory_space<vmem>> -> memref<128xi32, #tpu.memory_space<vmem>>
        %dma_wait3A_1008 = arith.constant 0 : i32
        %dma_wait3A_1009 = tpu.memref_slice %arg8[%dma_wait3A_1008] : memref<1024xf32, #tpu.memory_space<vmem_shared>> -> memref<1024xf32, #tpu.memory_space<vmem_shared>>
        tpu.wait_indirect_dma semaphore(%arg9 : memref<!tpu.dma_semaphore, #tpu.memory_space<semaphore_mem>>) src(%dma_wait3A_1004 : memref<128xf32, #tpu.memory_space<vmem>>) dst(%dma_wait3A_1009 : memref<1024xf32, #tpu.memory_space<vmem_shared>>)
        %dma_wait3A_1010 = arith.constant 43 : i32
        %dma_wait3A_1011 = arith.constant 43 : i32
        %dma_wait3A_1012 = arith.constant 0 : i32
        %dma_wait3A_1013 = tpu.memref_slice %arg5[%dma_wait3A_1010, %dma_wait3A_1012] : memref<56x128xf32, #tpu.memory_space<vmem>> -> memref<1x128xf32, #tpu.memory_space<vmem>>
        %dma_wait3A_1014 = tpu.memref_squeeze %dma_wait3A_1013 : memref<1x128xf32, #tpu.memory_space<vmem>> -> memref<128xf32, #tpu.memory_space<vmem>>
        %dma_wait3A_1015 = arith.constant 0 : i32
        %dma_wait3A_1016 = tpu.memref_slice %arg6[%dma_wait3A_1011, %dma_wait3A_1015] : memref<56x128xi32, #tpu.memory_space<vmem>> -> memref<1x128xi32, #tpu.memory_space<vmem>>
        %dma_wait3A_1017 = tpu.memref_squeeze %dma_wait3A_1016 : memref<1x128xi32, #tpu.memory_space<vmem>> -> memref<128xi32, #tpu.memory_space<vmem>>
        %dma_wait3A_1018 = arith.constant 0 : i32
        %dma_wait3A_1019 = tpu.memref_slice %arg8[%dma_wait3A_1018] : memref<1024xf32, #tpu.memory_space<vmem_shared>> -> memref<1024xf32, #tpu.memory_space<vmem_shared>>
        tpu.wait_indirect_dma semaphore(%arg9 : memref<!tpu.dma_semaphore, #tpu.memory_space<semaphore_mem>>) src(%dma_wait3A_1014 : memref<128xf32, #tpu.memory_space<vmem>>) dst(%dma_wait3A_1019 : memref<1024xf32, #tpu.memory_space<vmem_shared>>)
        %dma_wait3A_1020 = arith.constant 44 : i32
        %dma_wait3A_1021 = arith.constant 44 : i32
        %dma_wait3A_1022 = arith.constant 0 : i32
        %dma_wait3A_1023 = tpu.memref_slice %arg5[%dma_wait3A_1020, %dma_wait3A_1022] : memref<56x128xf32, #tpu.memory_space<vmem>> -> memref<1x128xf32, #tpu.memory_space<vmem>>
        %dma_wait3A_1024 = tpu.memref_squeeze %dma_wait3A_1023 : memref<1x128xf32, #tpu.memory_space<vmem>> -> memref<128xf32, #tpu.memory_space<vmem>>
        %dma_wait3A_1025 = arith.constant 0 : i32
        %dma_wait3A_1026 = tpu.memref_slice %arg6[%dma_wait3A_1021, %dma_wait3A_1025] : memref<56x128xi32, #tpu.memory_space<vmem>> -> memref<1x128xi32, #tpu.memory_space<vmem>>
        %dma_wait3A_1027 = tpu.memref_squeeze %dma_wait3A_1026 : memref<1x128xi32, #tpu.memory_space<vmem>> -> memref<128xi32, #tpu.memory_space<vmem>>
        %dma_wait3A_1028 = arith.constant 0 : i32
        %dma_wait3A_1029 = tpu.memref_slice %arg8[%dma_wait3A_1028] : memref<1024xf32, #tpu.memory_space<vmem_shared>> -> memref<1024xf32, #tpu.memory_space<vmem_shared>>
        tpu.wait_indirect_dma semaphore(%arg9 : memref<!tpu.dma_semaphore, #tpu.memory_space<semaphore_mem>>) src(%dma_wait3A_1024 : memref<128xf32, #tpu.memory_space<vmem>>) dst(%dma_wait3A_1029 : memref<1024xf32, #tpu.memory_space<vmem_shared>>)
        %dma_wait3A_1030 = arith.constant 45 : i32
        %dma_wait3A_1031 = arith.constant 45 : i32
        %dma_wait3A_1032 = arith.constant 0 : i32
        %dma_wait3A_1033 = tpu.memref_slice %arg5[%dma_wait3A_1030, %dma_wait3A_1032] : memref<56x128xf32, #tpu.memory_space<vmem>> -> memref<1x128xf32, #tpu.memory_space<vmem>>
        %dma_wait3A_1034 = tpu.memref_squeeze %dma_wait3A_1033 : memref<1x128xf32, #tpu.memory_space<vmem>> -> memref<128xf32, #tpu.memory_space<vmem>>
        %dma_wait3A_1035 = arith.constant 0 : i32
        %dma_wait3A_1036 = tpu.memref_slice %arg6[%dma_wait3A_1031, %dma_wait3A_1035] : memref<56x128xi32, #tpu.memory_space<vmem>> -> memref<1x128xi32, #tpu.memory_space<vmem>>
        %dma_wait3A_1037 = tpu.memref_squeeze %dma_wait3A_1036 : memref<1x128xi32, #tpu.memory_space<vmem>> -> memref<128xi32, #tpu.memory_space<vmem>>
        %dma_wait3A_1038 = arith.constant 0 : i32
        %dma_wait3A_1039 = tpu.memref_slice %arg8[%dma_wait3A_1038] : memref<1024xf32, #tpu.memory_space<vmem_shared>> -> memref<1024xf32, #tpu.memory_space<vmem_shared>>
        tpu.wait_indirect_dma semaphore(%arg9 : memref<!tpu.dma_semaphore, #tpu.memory_space<semaphore_mem>>) src(%dma_wait3A_1034 : memref<128xf32, #tpu.memory_space<vmem>>) dst(%dma_wait3A_1039 : memref<1024xf32, #tpu.memory_space<vmem_shared>>)
        %dma_wait3A_1040 = arith.constant 46 : i32
        %dma_wait3A_1041 = arith.constant 46 : i32
        %dma_wait3A_1042 = arith.constant 0 : i32
        %dma_wait3A_1043 = tpu.memref_slice %arg5[%dma_wait3A_1040, %dma_wait3A_1042] : memref<56x128xf32, #tpu.memory_space<vmem>> -> memref<1x128xf32, #tpu.memory_space<vmem>>
        %dma_wait3A_1044 = tpu.memref_squeeze %dma_wait3A_1043 : memref<1x128xf32, #tpu.memory_space<vmem>> -> memref<128xf32, #tpu.memory_space<vmem>>
        %dma_wait3A_1045 = arith.constant 0 : i32
        %dma_wait3A_1046 = tpu.memref_slice %arg6[%dma_wait3A_1041, %dma_wait3A_1045] : memref<56x128xi32, #tpu.memory_space<vmem>> -> memref<1x128xi32, #tpu.memory_space<vmem>>
        %dma_wait3A_1047 = tpu.memref_squeeze %dma_wait3A_1046 : memref<1x128xi32, #tpu.memory_space<vmem>> -> memref<128xi32, #tpu.memory_space<vmem>>
        %dma_wait3A_1048 = arith.constant 0 : i32
        %dma_wait3A_1049 = tpu.memref_slice %arg8[%dma_wait3A_1048] : memref<1024xf32, #tpu.memory_space<vmem_shared>> -> memref<1024xf32, #tpu.memory_space<vmem_shared>>
        tpu.wait_indirect_dma semaphore(%arg9 : memref<!tpu.dma_semaphore, #tpu.memory_space<semaphore_mem>>) src(%dma_wait3A_1044 : memref<128xf32, #tpu.memory_space<vmem>>) dst(%dma_wait3A_1049 : memref<1024xf32, #tpu.memory_space<vmem_shared>>)
        %dma_wait3A_1050 = arith.constant 47 : i32
        %dma_wait3A_1051 = arith.constant 47 : i32
        %dma_wait3A_1052 = arith.constant 0 : i32
        %dma_wait3A_1053 = tpu.memref_slice %arg5[%dma_wait3A_1050, %dma_wait3A_1052] : memref<56x128xf32, #tpu.memory_space<vmem>> -> memref<1x128xf32, #tpu.memory_space<vmem>>
        %dma_wait3A_1054 = tpu.memref_squeeze %dma_wait3A_1053 : memref<1x128xf32, #tpu.memory_space<vmem>> -> memref<128xf32, #tpu.memory_space<vmem>>
        %dma_wait3A_1055 = arith.constant 0 : i32
        %dma_wait3A_1056 = tpu.memref_slice %arg6[%dma_wait3A_1051, %dma_wait3A_1055] : memref<56x128xi32, #tpu.memory_space<vmem>> -> memref<1x128xi32, #tpu.memory_space<vmem>>
        %dma_wait3A_1057 = tpu.memref_squeeze %dma_wait3A_1056 : memref<1x128xi32, #tpu.memory_space<vmem>> -> memref<128xi32, #tpu.memory_space<vmem>>
        %dma_wait3A_1058 = arith.constant 0 : i32
        %dma_wait3A_1059 = tpu.memref_slice %arg8[%dma_wait3A_1058] : memref<1024xf32, #tpu.memory_space<vmem_shared>> -> memref<1024xf32, #tpu.memory_space<vmem_shared>>
        tpu.wait_indirect_dma semaphore(%arg9 : memref<!tpu.dma_semaphore, #tpu.memory_space<semaphore_mem>>) src(%dma_wait3A_1054 : memref<128xf32, #tpu.memory_space<vmem>>) dst(%dma_wait3A_1059 : memref<1024xf32, #tpu.memory_space<vmem_shared>>)
        %dma_wait3A_1060 = arith.constant 48 : i32
        %dma_wait3A_1061 = arith.constant 48 : i32
        %dma_wait3A_1062 = arith.constant 0 : i32
        %dma_wait3A_1063 = tpu.memref_slice %arg5[%dma_wait3A_1060, %dma_wait3A_1062] : memref<56x128xf32, #tpu.memory_space<vmem>> -> memref<1x128xf32, #tpu.memory_space<vmem>>
        %dma_wait3A_1064 = tpu.memref_squeeze %dma_wait3A_1063 : memref<1x128xf32, #tpu.memory_space<vmem>> -> memref<128xf32, #tpu.memory_space<vmem>>
        %dma_wait3A_1065 = arith.constant 0 : i32
        %dma_wait3A_1066 = tpu.memref_slice %arg6[%dma_wait3A_1061, %dma_wait3A_1065] : memref<56x128xi32, #tpu.memory_space<vmem>> -> memref<1x128xi32, #tpu.memory_space<vmem>>
        %dma_wait3A_1067 = tpu.memref_squeeze %dma_wait3A_1066 : memref<1x128xi32, #tpu.memory_space<vmem>> -> memref<128xi32, #tpu.memory_space<vmem>>
        %dma_wait3A_1068 = arith.constant 0 : i32
        %dma_wait3A_1069 = tpu.memref_slice %arg8[%dma_wait3A_1068] : memref<1024xf32, #tpu.memory_space<vmem_shared>> -> memref<1024xf32, #tpu.memory_space<vmem_shared>>
        tpu.wait_indirect_dma semaphore(%arg9 : memref<!tpu.dma_semaphore, #tpu.memory_space<semaphore_mem>>) src(%dma_wait3A_1064 : memref<128xf32, #tpu.memory_space<vmem>>) dst(%dma_wait3A_1069 : memref<1024xf32, #tpu.memory_space<vmem_shared>>)
        %dma_wait3A_1070 = arith.constant 49 : i32
        %dma_wait3A_1071 = arith.constant 49 : i32
        %dma_wait3A_1072 = arith.constant 0 : i32
        %dma_wait3A_1073 = tpu.memref_slice %arg5[%dma_wait3A_1070, %dma_wait3A_1072] : memref<56x128xf32, #tpu.memory_space<vmem>> -> memref<1x128xf32, #tpu.memory_space<vmem>>
        %dma_wait3A_1074 = tpu.memref_squeeze %dma_wait3A_1073 : memref<1x128xf32, #tpu.memory_space<vmem>> -> memref<128xf32, #tpu.memory_space<vmem>>
        %dma_wait3A_1075 = arith.constant 0 : i32
        %dma_wait3A_1076 = tpu.memref_slice %arg6[%dma_wait3A_1071, %dma_wait3A_1075] : memref<56x128xi32, #tpu.memory_space<vmem>> -> memref<1x128xi32, #tpu.memory_space<vmem>>
        %dma_wait3A_1077 = tpu.memref_squeeze %dma_wait3A_1076 : memref<1x128xi32, #tpu.memory_space<vmem>> -> memref<128xi32, #tpu.memory_space<vmem>>
        %dma_wait3A_1078 = arith.constant 0 : i32
        %dma_wait3A_1079 = tpu.memref_slice %arg8[%dma_wait3A_1078] : memref<1024xf32, #tpu.memory_space<vmem_shared>> -> memref<1024xf32, #tpu.memory_space<vmem_shared>>
        tpu.wait_indirect_dma semaphore(%arg9 : memref<!tpu.dma_semaphore, #tpu.memory_space<semaphore_mem>>) src(%dma_wait3A_1074 : memref<128xf32, #tpu.memory_space<vmem>>) dst(%dma_wait3A_1079 : memref<1024xf32, #tpu.memory_space<vmem_shared>>)
        %dma_wait3A_1080 = arith.constant 50 : i32
        %dma_wait3A_1081 = arith.constant 50 : i32
        %dma_wait3A_1082 = arith.constant 0 : i32
        %dma_wait3A_1083 = tpu.memref_slice %arg5[%dma_wait3A_1080, %dma_wait3A_1082] : memref<56x128xf32, #tpu.memory_space<vmem>> -> memref<1x128xf32, #tpu.memory_space<vmem>>
        %dma_wait3A_1084 = tpu.memref_squeeze %dma_wait3A_1083 : memref<1x128xf32, #tpu.memory_space<vmem>> -> memref<128xf32, #tpu.memory_space<vmem>>
        %dma_wait3A_1085 = arith.constant 0 : i32
        %dma_wait3A_1086 = tpu.memref_slice %arg6[%dma_wait3A_1081, %dma_wait3A_1085] : memref<56x128xi32, #tpu.memory_space<vmem>> -> memref<1x128xi32, #tpu.memory_space<vmem>>
        %dma_wait3A_1087 = tpu.memref_squeeze %dma_wait3A_1086 : memref<1x128xi32, #tpu.memory_space<vmem>> -> memref<128xi32, #tpu.memory_space<vmem>>
        %dma_wait3A_1088 = arith.constant 0 : i32
        %dma_wait3A_1089 = tpu.memref_slice %arg8[%dma_wait3A_1088] : memref<1024xf32, #tpu.memory_space<vmem_shared>> -> memref<1024xf32, #tpu.memory_space<vmem_shared>>
        tpu.wait_indirect_dma semaphore(%arg9 : memref<!tpu.dma_semaphore, #tpu.memory_space<semaphore_mem>>) src(%dma_wait3A_1084 : memref<128xf32, #tpu.memory_space<vmem>>) dst(%dma_wait3A_1089 : memref<1024xf32, #tpu.memory_space<vmem_shared>>)
        %dma_wait3A_1090 = arith.constant 51 : i32
        %dma_wait3A_1091 = arith.constant 51 : i32
        %dma_wait3A_1092 = arith.constant 0 : i32
        %dma_wait3A_1093 = tpu.memref_slice %arg5[%dma_wait3A_1090, %dma_wait3A_1092] : memref<56x128xf32, #tpu.memory_space<vmem>> -> memref<1x128xf32, #tpu.memory_space<vmem>>
        %dma_wait3A_1094 = tpu.memref_squeeze %dma_wait3A_1093 : memref<1x128xf32, #tpu.memory_space<vmem>> -> memref<128xf32, #tpu.memory_space<vmem>>
        %dma_wait3A_1095 = arith.constant 0 : i32
        %dma_wait3A_1096 = tpu.memref_slice %arg6[%dma_wait3A_1091, %dma_wait3A_1095] : memref<56x128xi32, #tpu.memory_space<vmem>> -> memref<1x128xi32, #tpu.memory_space<vmem>>
        %dma_wait3A_1097 = tpu.memref_squeeze %dma_wait3A_1096 : memref<1x128xi32, #tpu.memory_space<vmem>> -> memref<128xi32, #tpu.memory_space<vmem>>
        %dma_wait3A_1098 = arith.constant 0 : i32
        %dma_wait3A_1099 = tpu.memref_slice %arg8[%dma_wait3A_1098] : memref<1024xf32, #tpu.memory_space<vmem_shared>> -> memref<1024xf32, #tpu.memory_space<vmem_shared>>
        tpu.wait_indirect_dma semaphore(%arg9 : memref<!tpu.dma_semaphore, #tpu.memory_space<semaphore_mem>>) src(%dma_wait3A_1094 : memref<128xf32, #tpu.memory_space<vmem>>) dst(%dma_wait3A_1099 : memref<1024xf32, #tpu.memory_space<vmem_shared>>)
        %dma_wait3A_1100 = arith.constant 52 : i32
        %dma_wait3A_1101 = arith.constant 52 : i32
        %dma_wait3A_1102 = arith.constant 0 : i32
        %dma_wait3A_1103 = tpu.memref_slice %arg5[%dma_wait3A_1100, %dma_wait3A_1102] : memref<56x128xf32, #tpu.memory_space<vmem>> -> memref<1x128xf32, #tpu.memory_space<vmem>>
        %dma_wait3A_1104 = tpu.memref_squeeze %dma_wait3A_1103 : memref<1x128xf32, #tpu.memory_space<vmem>> -> memref<128xf32, #tpu.memory_space<vmem>>
        %dma_wait3A_1105 = arith.constant 0 : i32
        %dma_wait3A_1106 = tpu.memref_slice %arg6[%dma_wait3A_1101, %dma_wait3A_1105] : memref<56x128xi32, #tpu.memory_space<vmem>> -> memref<1x128xi32, #tpu.memory_space<vmem>>
        %dma_wait3A_1107 = tpu.memref_squeeze %dma_wait3A_1106 : memref<1x128xi32, #tpu.memory_space<vmem>> -> memref<128xi32, #tpu.memory_space<vmem>>
        %dma_wait3A_1108 = arith.constant 0 : i32
        %dma_wait3A_1109 = tpu.memref_slice %arg8[%dma_wait3A_1108] : memref<1024xf32, #tpu.memory_space<vmem_shared>> -> memref<1024xf32, #tpu.memory_space<vmem_shared>>
        tpu.wait_indirect_dma semaphore(%arg9 : memref<!tpu.dma_semaphore, #tpu.memory_space<semaphore_mem>>) src(%dma_wait3A_1104 : memref<128xf32, #tpu.memory_space<vmem>>) dst(%dma_wait3A_1109 : memref<1024xf32, #tpu.memory_space<vmem_shared>>)
        %dma_wait3A_1110 = arith.constant 53 : i32
        %dma_wait3A_1111 = arith.constant 53 : i32
        %dma_wait3A_1112 = arith.constant 0 : i32
        %dma_wait3A_1113 = tpu.memref_slice %arg5[%dma_wait3A_1110, %dma_wait3A_1112] : memref<56x128xf32, #tpu.memory_space<vmem>> -> memref<1x128xf32, #tpu.memory_space<vmem>>
        %dma_wait3A_1114 = tpu.memref_squeeze %dma_wait3A_1113 : memref<1x128xf32, #tpu.memory_space<vmem>> -> memref<128xf32, #tpu.memory_space<vmem>>
        %dma_wait3A_1115 = arith.constant 0 : i32
        %dma_wait3A_1116 = tpu.memref_slice %arg6[%dma_wait3A_1111, %dma_wait3A_1115] : memref<56x128xi32, #tpu.memory_space<vmem>> -> memref<1x128xi32, #tpu.memory_space<vmem>>
        %dma_wait3A_1117 = tpu.memref_squeeze %dma_wait3A_1116 : memref<1x128xi32, #tpu.memory_space<vmem>> -> memref<128xi32, #tpu.memory_space<vmem>>
        %dma_wait3A_1118 = arith.constant 0 : i32
        %dma_wait3A_1119 = tpu.memref_slice %arg8[%dma_wait3A_1118] : memref<1024xf32, #tpu.memory_space<vmem_shared>> -> memref<1024xf32, #tpu.memory_space<vmem_shared>>
        tpu.wait_indirect_dma semaphore(%arg9 : memref<!tpu.dma_semaphore, #tpu.memory_space<semaphore_mem>>) src(%dma_wait3A_1114 : memref<128xf32, #tpu.memory_space<vmem>>) dst(%dma_wait3A_1119 : memref<1024xf32, #tpu.memory_space<vmem_shared>>)
        %dma_wait3A_1120 = arith.constant 54 : i32
        %dma_wait3A_1121 = arith.constant 54 : i32
        %dma_wait3A_1122 = arith.constant 0 : i32
        %dma_wait3A_1123 = tpu.memref_slice %arg5[%dma_wait3A_1120, %dma_wait3A_1122] : memref<56x128xf32, #tpu.memory_space<vmem>> -> memref<1x128xf32, #tpu.memory_space<vmem>>
        %dma_wait3A_1124 = tpu.memref_squeeze %dma_wait3A_1123 : memref<1x128xf32, #tpu.memory_space<vmem>> -> memref<128xf32, #tpu.memory_space<vmem>>
        %dma_wait3A_1125 = arith.constant 0 : i32
        %dma_wait3A_1126 = tpu.memref_slice %arg6[%dma_wait3A_1121, %dma_wait3A_1125] : memref<56x128xi32, #tpu.memory_space<vmem>> -> memref<1x128xi32, #tpu.memory_space<vmem>>
        %dma_wait3A_1127 = tpu.memref_squeeze %dma_wait3A_1126 : memref<1x128xi32, #tpu.memory_space<vmem>> -> memref<128xi32, #tpu.memory_space<vmem>>
        %dma_wait3A_1128 = arith.constant 0 : i32
        %dma_wait3A_1129 = tpu.memref_slice %arg8[%dma_wait3A_1128] : memref<1024xf32, #tpu.memory_space<vmem_shared>> -> memref<1024xf32, #tpu.memory_space<vmem_shared>>
        tpu.wait_indirect_dma semaphore(%arg9 : memref<!tpu.dma_semaphore, #tpu.memory_space<semaphore_mem>>) src(%dma_wait3A_1124 : memref<128xf32, #tpu.memory_space<vmem>>) dst(%dma_wait3A_1129 : memref<1024xf32, #tpu.memory_space<vmem_shared>>)
        %dma_wait3A_1130 = arith.constant 55 : i32
        %dma_wait3A_1131 = arith.constant 55 : i32
        %dma_wait3A_1132 = arith.constant 0 : i32
        %dma_wait3A_1133 = tpu.memref_slice %arg5[%dma_wait3A_1130, %dma_wait3A_1132] : memref<56x128xf32, #tpu.memory_space<vmem>> -> memref<1x128xf32, #tpu.memory_space<vmem>>
        %dma_wait3A_1134 = tpu.memref_squeeze %dma_wait3A_1133 : memref<1x128xf32, #tpu.memory_space<vmem>> -> memref<128xf32, #tpu.memory_space<vmem>>
        %dma_wait3A_1135 = arith.constant 0 : i32
        %dma_wait3A_1136 = tpu.memref_slice %arg6[%dma_wait3A_1131, %dma_wait3A_1135] : memref<56x128xi32, #tpu.memory_space<vmem>> -> memref<1x128xi32, #tpu.memory_space<vmem>>
        %dma_wait3A_1137 = tpu.memref_squeeze %dma_wait3A_1136 : memref<1x128xi32, #tpu.memory_space<vmem>> -> memref<128xi32, #tpu.memory_space<vmem>>
        %dma_wait3A_1138 = arith.constant 0 : i32
        %dma_wait3A_1139 = tpu.memref_slice %arg8[%dma_wait3A_1138] : memref<1024xf32, #tpu.memory_space<vmem_shared>> -> memref<1024xf32, #tpu.memory_space<vmem_shared>>
        tpu.wait_indirect_dma semaphore(%arg9 : memref<!tpu.dma_semaphore, #tpu.memory_space<semaphore_mem>>) src(%dma_wait3A_1134 : memref<128xf32, #tpu.memory_space<vmem>>) dst(%dma_wait3A_1139 : memref<1024xf32, #tpu.memory_space<vmem_shared>>)
      } else {
      }
      %barrier3A_16 = arith.constant 0 : index
      tpu.barrier barrier_id(%barrier3A_16)
      %eq3A_17 = arith.constant 0 : i32
      %eq3A_18 = arith.cmpi eq, %arg1, %eq3A_17 : i32
      %convert_element_type3A_19 = arith.extui %eq3A_18 : i1 to i32
      %cond3A_20 = arith.constant 0 : i32
      %cond3A_21 = arith.cmpi ne, %convert_element_type3A_19, %cond3A_20 : i32
      scf.if %cond3A_21 {
        "tpu.region"() ({
          %run_scoped3A = tpu.sem_alloc : memref<!tpu.dma_semaphore, #tpu.memory_space<semaphore_mem>>
          tpu.enqueue_dma source(%arg8 : memref<1024xf32, #tpu.memory_space<vmem_shared>>) target(%arg4 : memref<1024xf32, #tpu.memory_space<hbm>>) target_semaphore(%run_scoped3A : memref<!tpu.dma_semaphore, #tpu.memory_space<semaphore_mem>>)
          tpu.wait_dma2 semaphore(%run_scoped3A : memref<!tpu.dma_semaphore, #tpu.memory_space<semaphore_mem>>) src(%arg8 : memref<1024xf32, #tpu.memory_space<vmem_shared>>) dst(%arg4 : memref<1024xf32, #tpu.memory_space<hbm>>)
          tpu.yield
        }) : () -> ()
      } else {
      }
    } else {
    }
    return
  }
}

module attributes {stable_mosaic.version = 14 : i64} {
  func.func @_mlp_body(%arg0: i32, %arg1: memref<7168x128xf32, #tpu.memory_space<vmem>>, %arg2: memref<7168xi32, #tpu.memory_space<vmem>>, %arg3: memref<128x128xf32, #tpu.memory_space<vmem>>, %arg4: memref<128x1xf32, #tpu.memory_space<vmem>>, %arg5: memref<128x1xf32, #tpu.memory_space<vmem>>, %arg6: memref<1x1xf32, #tpu.memory_space<vmem>>, %arg7: memref<1x56x128xf32, #tpu.memory_space<vmem>>, %arg8: memref<1x56x128xi32, #tpu.memory_space<vmem>>) attributes {dimension_semantics = [#tpu.dimension_semantics<arbitrary>], iteration_bounds = array<i64: 14>, scalar_prefetch = 0 : i64, scratch_operands = 0 : i64, tpu.core_type = #tpu.core_type<tc>, window_params = [{transform_indices = @transform_0, window_bounds = array<i64: 7168, 128>}, {transform_indices = @transform_1, window_bounds = array<i64: 7168>}, {pipeline_mode = #tpu.pipeline_mode<synchronous>, transform_indices = @transform_2, window_bounds = array<i64: 128, 128>}, {pipeline_mode = #tpu.pipeline_mode<synchronous>, transform_indices = @transform_3, window_bounds = array<i64: 128, 1>}, {pipeline_mode = #tpu.pipeline_mode<synchronous>, transform_indices = @transform_4, window_bounds = array<i64: 128, 1>}, {pipeline_mode = #tpu.pipeline_mode<synchronous>, transform_indices = @transform_5, window_bounds = array<i64: 1, 1>}, {transform_indices = @transform_6, window_bounds = array<i64: 1, 56, 128>}, {transform_indices = @transform_7, window_bounds = array<i64: 1, 56, 128>}]} {
    %get3A = arith.constant 0 : index
    %get3A_0 = arith.constant 0 : index
    %get3A_1 = vector.load %arg1[%get3A, %get3A_0] : memref<7168x128xf32, #tpu.memory_space<vmem>>, vector<7168x128xf32>
    %convert_element_type3A = arith.truncf %get3A_1 : vector<7168x128xf32> to vector<7168x128xbf16>
    %get3A_2 = arith.constant 0 : index
    %get3A_3 = arith.constant 0 : index
    %get3A_4 = vector.load %arg3[%get3A_2, %get3A_3] : memref<128x128xf32, #tpu.memory_space<vmem>>, vector<128x128xf32>
    %convert_element_type3A_5 = arith.truncf %get3A_4 : vector<128x128xf32> to vector<128x128xbf16>
    %get3A_6 = arith.constant 0 : index
    %get3A_7 = arith.constant 0 : index
    %get3A_8 = vector.load %arg4[%get3A_6, %get3A_7] : memref<128x1xf32, #tpu.memory_space<vmem>>, vector<128x1xf32>
    %dot_general3A = arith.constant dense<0.000000e+00> : vector<128x7168xf32>
    %dot_general3A_9 = tpu.matmul %convert_element_type3A_5, %convert_element_type3A, %dot_general3A {dimension_numbers = #tpu.dot_dimension_numbers<[1], [1], [0], [0], [0, 0, 1, 0], [], []>, transpose_lhs_hint = false} : vector<128x128xbf16>, vector<7168x128xbf16>, vector<128x7168xf32> -> vector<128x7168xf32>
    %add3A = vector.broadcast %get3A_8 : vector<128x1xf32> to vector<128x7168xf32>
    %add3A_10 = arith.addf %dot_general3A_9, %add3A : vector<128x7168xf32>
    %convert_element_type3A_11 = arith.truncf %add3A_10 : vector<128x7168xf32> to vector<128x7168xbf16>
    %tanh3A = math.tanh %convert_element_type3A_11 : vector<128x7168xbf16>
    %mul3A = arith.mulf %convert_element_type3A_11, %tanh3A : vector<128x7168xbf16>
    %add3A_12 = arith.addf %mul3A, %convert_element_type3A_11 : vector<128x7168xbf16>
    %dot_general3A_13 = arith.constant dense<0.000000e+00> : vector<128x7168xf32>
    %dot_general3A_14 = tpu.matmul %convert_element_type3A_5, %add3A_12, %dot_general3A_13 {dimension_numbers = #tpu.dot_dimension_numbers<[1], [0], [0], [1], [0, 0, 1, 1], [], []>, transpose_lhs_hint = false} : vector<128x128xbf16>, vector<128x7168xbf16>, vector<128x7168xf32> -> vector<128x7168xf32>
    %add3A_15 = vector.broadcast %get3A_8 : vector<128x1xf32> to vector<128x7168xf32>
    %add3A_16 = arith.addf %dot_general3A_14, %add3A_15 : vector<128x7168xf32>
    %convert_element_type3A_17 = arith.truncf %add3A_16 : vector<128x7168xf32> to vector<128x7168xbf16>
    %tanh3A_18 = math.tanh %convert_element_type3A_17 : vector<128x7168xbf16>
    %mul3A_19 = arith.mulf %convert_element_type3A_17, %tanh3A_18 : vector<128x7168xbf16>
    %add3A_20 = arith.addf %mul3A_19, %convert_element_type3A_17 : vector<128x7168xbf16>
    %get3A_21 = arith.constant 0 : index
    %get3A_22 = arith.constant 0 : index
    %get3A_23 = vector.load %arg5[%get3A_21, %get3A_22] : memref<128x1xf32, #tpu.memory_space<vmem>>, vector<128x1xf32>
    %convert_element_type3A_24 = arith.truncf %get3A_23 : vector<128x1xf32> to vector<128x1xbf16>
    %mul3A_25 = vector.broadcast %convert_element_type3A_24 : vector<128x1xbf16> to vector<128x7168xbf16>
    %mul3A_26 = arith.mulf %add3A_20, %mul3A_25 : vector<128x7168xbf16>
    %convert_element_type3A_27 = arith.extf %mul3A_26 : vector<128x7168xbf16> to vector<128x7168xf32>
    %reduce_sum3A = arith.constant dense<0.000000e+00> : vector<7168xf32>
    %reduce_sum3A_28 = vector.multi_reduction <add>, %convert_element_type3A_27, %reduce_sum3A [0] : vector<128x7168xf32> to vector<7168xf32>
    %get3A_29 = arith.constant 0 : index
    %get3A_30 = arith.constant 0 : index
    %get3A_31 = vector.load %arg6[%get3A_29, %get3A_30] : memref<1x1xf32, #tpu.memory_space<vmem>>, vector<1x1xf32>
    %get3A_32 = vector.extract %get3A_31[0, 0] : f32 from vector<1x1xf32>
    %add3A_33 = vector.broadcast %get3A_32 : f32 to vector<7168xf32>
    %add3A_34 = arith.addf %reduce_sum3A_28, %add3A_33 : vector<7168xf32>
    %add3A_35 = arith.constant 0 : i32
    %add3A_36 = arith.addi %arg0, %add3A_35 : i32
    %mul3A_37 = arith.constant 7168 : i32
    %mul3A_38 = arith.muli %add3A_36, %mul3A_37 : i32
    %iota3A = tpu.iota {dimensions = array<i32: 1>} : vector<1x7168xi32>
    %iota3A_39 = vector.shape_cast %iota3A : vector<1x7168xi32> to vector<7168xi32>
    %add3A_40 = vector.broadcast %mul3A_38 : i32 to vector<7168xi32>
    %add3A_41 = arith.addi %add3A_40, %iota3A_39 : vector<7168xi32>
    %lt3A = arith.constant 100000 : i32
    %lt3A_42 = vector.broadcast %lt3A : i32 to vector<7168xi32>
    %lt3A_43 = arith.cmpi slt, %add3A_41, %lt3A_42 : vector<7168xi32>
    %jit3A = arith.constant 0.000000e+00 : f32
    %broadcast_in_dim3A = vector.broadcast %jit3A : f32 to vector<7168xf32>
    %select_n3A = arith.select %lt3A_43, %add3A_34, %broadcast_in_dim3A : vector<7168xi1>, vector<7168xf32>
    %get3A_44 = arith.constant 0 : index
    %get3A_45 = vector.load %arg2[%get3A_44] : memref<7168xi32, #tpu.memory_space<vmem>>, vector<7168xi32>
    %jit3A_46 = arith.constant 0 : i32
    %broadcast_in_dim3A_47 = vector.broadcast %jit3A_46 : i32 to vector<7168xi32>
    %select_n3A_48 = arith.select %lt3A_43, %get3A_45, %broadcast_in_dim3A_47 : vector<7168xi1>, vector<7168xi32>
    %reshape3A = vector.shape_cast %select_n3A : vector<7168xf32> to vector<56x128xf32>
    %swap3A = arith.constant 0 : index
    %swap3A_49 = arith.constant 0 : index
    %swap3A_50 = arith.constant 0 : index
    %swap3A_51 = vector.load %arg7[%swap3A, %swap3A_49, %swap3A_50] : memref<1x56x128xf32, #tpu.memory_space<vmem>>, vector<1x56x128xf32>
    %swap3A_52 = vector.shape_cast %swap3A_51 : vector<1x56x128xf32> to vector<56x128xf32>
    %swap3A_53 = vector.shape_cast %reshape3A : vector<56x128xf32> to vector<1x56x128xf32>
    tpu.vector_store %arg7[%swap3A, %swap3A_49, %swap3A_50], %swap3A_53 {strides = array<i32>} : memref<1x56x128xf32, #tpu.memory_space<vmem>>, vector<1x56x128xf32>,
    %reshape3A_54 = vector.shape_cast %select_n3A_48 : vector<7168xi32> to vector<56x128xi32>
    %swap3A_55 = arith.constant 0 : index
    %swap3A_56 = arith.constant 0 : index
    %swap3A_57 = arith.constant 0 : index
    %swap3A_58 = vector.load %arg8[%swap3A_55, %swap3A_56, %swap3A_57] : memref<1x56x128xi32, #tpu.memory_space<vmem>>, vector<1x56x128xi32>
    %swap3A_59 = vector.shape_cast %swap3A_58 : vector<1x56x128xi32> to vector<56x128xi32>
    %swap3A_60 = vector.shape_cast %reshape3A_54 : vector<56x128xi32> to vector<1x56x128xi32>
    tpu.vector_store %arg8[%swap3A_55, %swap3A_56, %swap3A_57], %swap3A_60 {strides = array<i32>} : memref<1x56x128xi32, #tpu.memory_space<vmem>>, vector<1x56x128xi32>,
    return
  }
  func.func @transform_0(%arg0: i32) -> (i32, i32) {
    %add3A = arith.constant 0 : i32
    %add3A_0 = arith.addi %arg0, %add3A : i32
    %c0_i32 = arith.constant 0 : i32
    %c0_i32_1 = arith.constant 0 : i32
    return %add3A_0, %c0_i32 : i32, i32
  }
  func.func @transform_1(%arg0: i32) -> i32 {
    %add3A = arith.constant 0 : i32
    %add3A_0 = arith.addi %arg0, %add3A : i32
    %c0_i32 = arith.constant 0 : i32
    return %add3A_0 : i32
  }
  func.func @transform_2(%arg0: i32) -> (i32, i32) {
    %c0_i32 = arith.constant 0 : i32
    %c0_i32_0 = arith.constant 0 : i32
    %c0_i32_1 = arith.constant 0 : i32
    return %c0_i32, %c0_i32_0 : i32, i32
  }
  func.func @transform_3(%arg0: i32) -> (i32, i32) {
    %c0_i32 = arith.constant 0 : i32
    %c0_i32_0 = arith.constant 0 : i32
    %c0_i32_1 = arith.constant 0 : i32
    return %c0_i32, %c0_i32_0 : i32, i32
  }
  func.func @transform_4(%arg0: i32) -> (i32, i32) {
    %c0_i32 = arith.constant 0 : i32
    %c0_i32_0 = arith.constant 0 : i32
    %c0_i32_1 = arith.constant 0 : i32
    return %c0_i32, %c0_i32_0 : i32, i32
  }
  func.func @transform_5(%arg0: i32) -> (i32, i32) {
    %c0_i32 = arith.constant 0 : i32
    %c0_i32_0 = arith.constant 0 : i32
    %c0_i32_1 = arith.constant 0 : i32
    return %c0_i32, %c0_i32_0 : i32, i32
  }
  func.func @transform_6(%arg0: i32) -> (i32, i32, i32) {
    %c0_i32 = arith.constant 0 : i32
    %c0_i32_0 = arith.constant 0 : i32
    %c0_i32_1 = arith.constant 0 : i32
    return %arg0, %c0_i32, %c0_i32_0 : i32, i32, i32
  }
  func.func @transform_7(%arg0: i32) -> (i32, i32, i32) {
    %c0_i32 = arith.constant 0 : i32
    %c0_i32_0 = arith.constant 0 : i32
    %c0_i32_1 = arith.constant 0 : i32
    return %arg0, %c0_i32, %c0_i32_0 : i32, i32, i32
  }
}

</mosaic_0001>

<sc_bundles>
// kernel: kernel.4.cloned.1.call-start
scs
__scs_entry_jumppad:
0x0: {  	(pc) =	sbr.rel $0x88, $3  }
0x1: {  	(tag) =	ssettag $0x0;
	lr =	simm.s32 $0x1  }
0x2: {  	[smem:$0x3F9B] =	sst lr;
	_ =	strace $0xD0000000  }
0x3: {  	_ = 	snop  }
0x4: {  	_ = 	snop  }
0x5: {  	_ = 	snop  }
0x6: {  	_ = 	snop  }
0x7: {  	_ = 	snop  }
__scs_overlays_trampoline_lowered:
0x8: {  	[smem:$0x3FAA] =	sst s0  }
0x9: {  	[smem:$0x3FAB] =	sst s1  }
0xa: {  	[smem:$0x3FAC] =	sst s2  }
0xb: {  	[smem:$0x3FAD] =	sst s3  }
0xc: {  	[smem:$0x3FAE] =	sst s4  }
0xd: {  	[smem:$0x3FAF] =	sst s5  }
0xe: {  	[smem:$0x3FB0] =	sst s6  }
0xf: {  	[smem:$0x3FB1] =	sst s7  }
0x10: {  	[smem:$0x3FB2] =	sst s8  }
0x11: {  	[smem:$0x3FB3] =	sst s9;
	s0 =	simm.s32 @!p0 $0x0  }
0x12: {  	s1 =	sld [smem:$0x3F99];
	s0 =	simm.s32 @p0 $0x1  }
0x13: {  	[smem:$0x3FB4] =	sst s0;
	s0 =	simm.s32 @!p1 $0x0  }
0x14: {  	s2 =	sld [smem:$0x3F98];
	s0 =	simm.s32 @p1 $0x1  }
0x15: {  	[smem:$0x3FB5] =	sst s0;
	s0 =	simm.s32 @!p2 $0x0  }
0x16: {  	s3 =	sld [smem:$0x3FDB];
	s0 =	simm.s32 @p2 $0x1  }
0x17: {  	s4 =	simm.s32 $0x1BF5;
	[smem:$0x3FB7] =	sst s0  }
0x18: {  	s0 =	sld [smem:$0x3F9A];
	_ =	swait.ge [sflag:s4], $0x0  }
0x19: {  	s7 =	sld [smem:$0x3F9B]  }
0x1a: {  	s8 =	sadd.s32 $0xFFFFE003, lr  }
0x1b: {  	s9 =	sadd.s32 $0xFFFFFEF7, lr;
	s5 =	simm.s32 $0xFFFFFFFF;
	p2 =	slt.u32 s8, $0xFFFFF086  }
0x1c: {  	p1 =	slt.u32 s9, $0xF7A;
	s5 =	simm.s32 @!p2 $0x0  }
0x1d: {  	s5 =	simm.s32 @p1 $0x1;
	p0 =	seq.s32 s7, s2  }
0x1e: {  	s7 =	smul.u32 @!p0 $0xF7A, s2;
	p2 =	seq.s32 @!p0 s5, $0x0  }
0x1f: {  	s9 =	smul.u32 $0xF7A, s1;
	s8 =	simm.s32 @!p0 $0x1BF5;
	p2 =	por !p2, p0  }
0x20: {  	[sflag:s8] =	ssyncset.s32 @!p0 $0xFFFFF086;
	s6 =	sadd.s32 @!p0 s3, s7;
	s7 =	simm.s32 @!p0 $0x108  }
0x21: {  	s3 =	sadd.s32 s3, s9;
	s6 =	sadd.s32 @!p0 $0x88, s6;
	s7 =	simm.s32 @p2 $0x1082  }
0x22: {  	[simem:s7], [sflag:s8] =	dma.local @!p0 [hbm:s6], $0xF7A  }
0x23: {  	s9 =	sor.u32 $0xD0000000, s2;
	s6 =	simm.s32 $0x108;
	_ =	swait.ge @!p0 [sflag:s8], $0x0  }
0x24: {  	s3 =	sadd.s32 $0x88, s3;
	s6 =	simm.s32 @!p1 $0x1082;
	[sflag:s4] =	ssyncset.s32 $0xFFFFF086  }
0x25: {  	[simem:s6], [sflag:s4] =	dma.local [hbm:s3], $0xF7A  }
0x26: {  	[smem:$0x3F9B] =	sst s1;
	(tag) =	ssettag s2;
	_ =	strace s9  }
0x27: {  	s1 =	sld [smem:$0x3FAB]  }
0x28: {  	s2 =	sld [smem:$0x3FAC]  }
0x29: {  	s4 =	sld [smem:$0x3FAE]  }
0x2a: {  	p0 =	seq.s32 s5, $0x0;
	s5 =	sld [smem:$0x3FAF]  }
0x2b: {  	s6 =	sld [smem:$0x3FB0]  }
0x2c: {  	s7 =	sld [smem:$0x3FB1]  }
0x2d: {  	s3 =	simm.s32 $0x108;
	s8 =	sld [smem:$0x3FB2]  }
0x2e: {  	s3 =	simm.s32 @!p0 $0x1082;
	s9 =	sld [smem:$0x3FB3]  }
0x2f: {  	lr =	sadd.s32 s0, s3;
	s0 =	sld [smem:$0x3FAA]  }
0x30: {  	s3 =	sld [smem:$0x3FAD]  }
0x31: {  	[smem:$0x3FB6] =	sst s10  }
0x32: {  	s10 =	sld [smem:$0x3FB4];
	_ =	sdelay $0x3  }
0x33: {  	p0 =	seq.s32 s10, $0x1;
	s10 =	sld [smem:$0x3FB6];
	_ =	sdelay $0x3  }
0x34: {  	[smem:$0x3FB6] =	sst s10  }
0x35: {  	s10 =	sld [smem:$0x3FB5];
	_ =	sdelay $0x3  }
0x36: {  	p1 =	seq.s32 s10, $0x1;
	s10 =	sld [smem:$0x3FB6];
	_ =	sdelay $0x3  }
0x37: {  	[smem:$0x3FB6] =	sst s10  }
0x38: {  	s10 =	sld [smem:$0x3FB7]  }
0x39: {  	_ = 	snop;
	(pc) =	sbr.ind lr, $3  }
0x3a: {  	_ = 	snop  }
0x3b: {  	_ = 	snop  }
0x3c: {  	p2 =	seq.s32 s10, $0x1;
	s10 =	sld [smem:$0x3FB6]  }
0x3d: {  	_ =	shalt  }
0x3e: {  	_ =	shalt  }
0x3f: {  	_ =	shalt  }
0x40: {  	_ =	shalt  }
0x41: {  	_ =	shalt  }
0x42: {  	_ =	shalt  }
0x43: {  	_ =	shalt  }
0x44: {  	_ =	shalt  }
0x45: {  	_ =	shalt  }
0x46: {  	_ =	shalt  }
0x47: {  	_ =	shalt  }
0x48: {  	_ =	shalt  }
0x49: {  	_ =	shalt  }
0x4a: {  	_ =	shalt  }
0x4b: {  	_ =	shalt  }
0x4c: {  	_ =	shalt  }
0x4d: {  	_ =	shalt  }
0x4e: {  	_ =	shalt  }
0x4f: {  	_ =	shalt  }
0x50: {  	_ =	shalt  }
0x51: {  	_ =	shalt  }
0x52: {  	_ =	shalt  }
0x53: {  	_ =	shalt  }
0x54: {  	_ =	shalt  }
0x55: {  	_ =	shalt  }
0x56: {  	_ =	shalt  }
0x57: {  	_ =	shalt  }
0x58: {  	_ =	shalt  }
0x59: {  	_ =	shalt  }
0x5a: {  	_ =	shalt  }
0x5b: {  	_ =	shalt  }
0x5c: {  	_ =	shalt  }
0x5d: {  	_ =	shalt  }
0x5e: {  	_ =	shalt  }
0x5f: {  	_ =	shalt  }
0x60: {  	_ =	shalt  }
0x61: {  	_ =	shalt  }
0x62: {  	_ =	shalt  }
0x63: {  	_ =	shalt  }
0x64: {  	_ =	shalt  }
0x65: {  	_ =	shalt  }
0x66: {  	_ =	shalt  }
0x67: {  	_ =	shalt  }
0x68: {  	_ =	shalt  }
0x69: {  	_ =	shalt  }
0x6a: {  	_ =	shalt  }
0x6b: {  	_ =	shalt  }
0x6c: {  	_ =	shalt  }
0x6d: {  	_ =	shalt  }
0x6e: {  	_ =	shalt  }
0x6f: {  	_ =	shalt  }
0x70: {  	_ =	shalt  }
0x71: {  	_ =	shalt  }
0x72: {  	_ =	shalt  }
0x73: {  	_ =	shalt  }
0x74: {  	_ =	shalt  }
0x75: {  	_ =	shalt  }
0x76: {  	_ =	shalt  }
0x77: {  	_ =	shalt  }
0x78: {  	_ =	shalt  }
0x79: {  	_ =	shalt  }
0x7a: {  	_ =	shalt  }
0x7b: {  	_ =	shalt  }
0x7c: {  	_ =	shalt  }
0x7d: {  	_ =	shalt  }
0x7e: {  	_ =	shalt  }
0x7f: {  	_ =	shalt  }
0x80: {  	_ =	shalt  }
0x81: {  	_ =	shalt  }
0x82: {  	_ =	shalt  }
0x83: {  	_ =	shalt  }
0x84: {  	_ =	shalt  }
0x85: {  	_ =	shalt  }
0x86: {  	_ =	shalt  }
0x87: {  	_ =	shalt  }
.Lfunc_end0:
.L_simem_size_0:
called_computation_lowered:
.L_overlay_start_0:
0x88: {  	s2 =	sld [smem:$0x3FD9]  }
0x89: {  	s3 =	sld [smem:$0x3FFE];
	_ =	sdelay $0x1  }
0x8a: {  	s1 =	srdreg.scid  }
0x8b: {  	s0 =	sand.u32 $0x1, s1  }
0x8c: {  	s17 =	sshll.u32 s0, $0xA;
	s2 =	sadd.s32 s3, s2  }
0x8d: {  	s2 =	sadd.s32 s2, s17  }
0x8e: {  	[smem:$0x3FC2] =	sst s2  }
0x8f: {  	_ = 	snop  }
0x90: {  	s2 =	sld [smem:$0x3FD0];
	(tm) =	ssettm $0x1  }
0x91: {  	s18 =	sld [smem:$0x3FFB];
	_ =	sdelay $0x3  }
0x92: {  	_ =	strace s18  }
0x93: {  	s3 =	sld [smem:$0x3FFC];
	_ =	sdelay $0x3  }
0x94: {  	_ =	strace s3  }
0x95: {  	s3 =	sld [smem:$0x3FFD];
	_ =	sdelay $0x3  }
0x96: {  	_ =	strace s3  }
0x97: {  	_ =	strace $0x8FFFFFFF  }
0x98: {  	s19 =	sld [smem:$0x3FDB];
	_ =	sdelay $0x1  }
0x99: {  	s4 =	simm.s32 $_scs_section_size  }
0x9a: {  	s5 =	simm.s32 $_size__tile_overlayer_lowered;
	s6 =	simm.s32 $_tile_overlayer_lowered  }
0x9b: {  	s22 =	simm.s32 $0x1BFF;
	s21 =	sshll.u32 s6, $0x1;
	s3 =	sadd.s32 s4, s19  }
0x9c: {  	s7 =	simm.s32 $0x0;
	s20 =	sshll.u32 s5, $0x1;
	s5 =	sadd.s32 s21, s3  }
0x9d: {  	[timem:s7], [sflag:s22] =	dma.local [hbm:s5], s20  }
0x9e: {  	_ =	swait.ge [sflag:s22], s20  }
0x9f: {  	s4 =	ssub.s32 $0x0, s20;
	[sflag:s22] =	ssyncset.done $0x0  }
0xa0: {  	[sflag:s22] =	ssyncadd.s32 s4;
	_ =	sdelay $0x1  }
0xa1: {  	s23 =	simm.s32 $0x1B8B  }
0xa2: {  	_ =	swait.ge [sflag:s23], $0x1  }
0xa3: {  	[sflag:s23] =	ssyncset.done $0x0  }
0xa4: {  	s25 =	simm.s32 $0x1B8E;
	s24 =	sld [smem:$0x3FFE];
	[sflag:s23] =	ssyncadd.s32 $0xFFFFFFFF  }
0xa5: {  	s26 =	simm.s32 $execute0_lowered;
	[smem:$0x3FD2] =	sst s25  }
0xa6: {  	s5 =	sshll.u32 s26, $0x1;
	_ =	strace $0x80000046;
	[dreg:$0x1] =	wrdreg $0xFFFFFFFF  }
0xa7: {  	s28 =	simm.s32 $_size_execute0_lowered;
	s3 =	sadd.s32 s3, s5;
	[dreg:$0x0] =	wrdreg $0x0  }
0xa8: {  	s5 =	sshll.u32 s28, $0x1;
	[dreg:$0x2] =	wrdreg s3  }
0xa9: {  	[dreg:$0x3] =	wrdreg s5  }
0xaa: {  	[dreg:$0x4] =	wrdreg $0xC0  }
0xab: {  	_ =	task [dreg:s7], $0x5FFFF  }
0xac: {  	[dreg:$0x1] =	wrdreg $0xFFFFFFFF  }
0xad: {  	[dreg:$0x0] =	wrdreg $0x60  }
0xae: {  	[dreg:$0x2] =	wrdreg s24  }
0xaf: {  	[dreg:$0x3] =	wrdreg s2  }
0xb0: {  	[dreg:$0x4] =	wrdreg $0x3C000  }
0xb1: {  	[dreg:$0x5] =	wrdreg $0x9  }
0xb2: {  	_ =	task.clear_ibuf [dreg:s7], $0x6FFFF;
	_ =	strace $0x90000046  }
0xb3: {  	s29 =	simm.s32 $0x9;
	_ =	strace $0x80000048  }
0xb4: {  	_ =	swait.ge [sflag:s29], $0x1  }
0xb5: {  	[sflag:s29] =	ssyncadd.s32 $0xFFFFFFFF  }
0xb6: {  	_ =	strace $0x90000048  }
0xb7: {  	_ =	sfence  }
0xb8: {  	s30 =	sld [smem:$0x0];
	_ =	sdelay $0x2  }
0xb9: {  	s31 =	sshll.u32 s1, $0xD;
	s1 =	sshrl.u32 s1, $0x2  }
0xba: {  	s3 =	sand.u32 $0x4000, s31;
	s1 =	sadd.s32 s1, s30  }
0xbb: {  	s0 =	sor.u32 s3, s0;
	s1 =	sshll.u32 s1, $0x11  }
0xbc: {  	s0 =	sor.u32 s1, s0  }
0xbd: {  	s0 =	sadd.s32 $0x8F2B, s0  }
0xbe: {  	[sflag:s0] =	ssyncadd.remote.s32 $0x1  }
0xbf: {  	_ =	sfence.sel $0xFFFF  }
0xc0: {  	[dreg:$0x0] =	wrdreg $0xFFFFFFFF;
	(pc) =	sbr.abs _section_cstart, $3  }
0xc1: {  	[dreg:$0x1] =	wrdreg $0xFFFFFFFF  }
0xc2: {  	_ =	task.clear_ibuf [dreg:s7], $0x2FFFF;
	_ =	strace $0x9FFFFFFF  }
0xc3: {  	(tm) =	ssettm $0x7FFFFFFF  }
tec
execute0_lowered:
.L_overlay_start_1:
0x0: {  	(tag) =	ssettag $0x1  }
0x1: {  	s1 =	srdreg.scid  }
0x2: {  	s1 =	sand.u32 $0x1, s1  }
0x3: {  	p0 =	seq.s32 s1, $0x1  }
.Ltmp0:
0x4: {  	s4 =	rddreg [dreg:$0x0];
	(pc) =	sbr.rel @p0 .LBB2_8-.Ltmp0, $4  }
0x5: {  	s2 =	rddreg [dreg:$0x1]  }
0x6: {  	s3 =	rddreg [dreg:$0x2];
	s5 =	simm.s32 $0x0  }
0x7: {  	[smem:$0x7FF] =	sst s5  }
0x8: {  	s0 =	rddreg [dreg:$0x3];
	_ =	strace $0x80000047;
	s1 =	stileid.u32  }
0x9: {  	p0 =	slt.u32 s1, $0xE  }
.Ltmp1:
0xa: {  	_ = 	snop;
	(pc) =	sbr.rel @!p0 .LBB2_2-.Ltmp1, $1  }
0xb: {  	_ =	sdelay $0x3  }
0xc: {  	s5 =	smul.u32 $0x380, s1;
	_ =	sdelay $0x1  }
0xd: {  	s4 =	sadd.s32 s5, s4  }
0xe: {  	s6 =	simm.s32 $0x0;
	s5 =	sadd.s32 $0xC00, s4  }
0xf: {  	[tilespmem:s6], [sflag:$0x1] =	stream.linear.gather [hbm4b:s5+s6], $0x1C00, $0x38;
	[tilespmem:$0x3C40] =	vst v63  }
0x10: {  	s7 =	simm.s32 $0x1C00;
	s4 =	sadd.s32 $0x3E00, s4  }
0x11: {  	[tilespmem:s7], [sflag:$0x1] =	stream.linear.gather [hbm4b:s4+s6], $0x1C00, $0x38;
	[tilespmem:$0x3C40] =	vst v63  }
0x12: {  	s4 =	simm.s32 $0x1  }
0x13: {  	p0 =	sne.s32 s1, $0x0;
	_ =	swait.ge [sflag:s4], $0x1C00  }
.Ltmp2:
0x14: {  	[sflag:s4] =	ssyncset.done $0x0;
	(pc) =	sbr.rel @p0 .LBB2_7-.Ltmp2, $4  }
0x15: {  	[sflag:s4] =	ssyncadd.s32 $0xFFFFE400  }
0x16: {  	_ =	swait.ge [sflag:s4], $0x1C00  }
0x17: {  	[sflag:s4] =	ssyncset.done $0x0  }
0x18: {  	[sflag:s4] =	ssyncadd.s32 $0xFFFFE400  }
0x19: {  	v0 =	vimm.f32 $0.0e+00;
	s5 =	simm.s32 $0x40;
	s8 =	simm.s32 $0x0  }
.LBB2_5:
0x1a: {  	p1 =	sne.s32 s5, $0xFC0;
	[tilespmem:s8+$0x3800] =	vst v0;
	s8 =	smov.u32 s5;
	s5 =	sadd.s32 $0x40, s5  }
.Ltmp3:
0x1b: {  	(pc) =	sbr.rel @p1 .LBB2_5-.Ltmp3, $2  }
0x1c: {  	_ =	sdelay $0x2  }
0x1d: {  	s8 =	sshra.s32 s8, $0x2  }
0x1e: {  	[tilespmem:s8+$0x3800] =	vst v0;
	s5 =	simm.s32 $0x3800;
	s31 =	simm.s32 $0x2  }
0x1f: {  	[spmem:s3] =	stream.linear.scatter [tilespmem:s5], [sflag:$0x2], $0x400, $0x38;
	[tilespmem:$0x3C40] =	vst v63  }
0x20: {  	_ =	swait.ge [sflag:s31], $0x400  }
0x21: {  	[sflag:s31] =	ssyncset.done $0x0  }
0x22: {  	[sflag:s31] =	ssyncadd.s32 $0xFFFFFC00  }
.LBB2_7:
0x23: {  	[bflag:$0x0] =	sbarrier.arrive $0xFFFF;
	s5 =	simm.s32 $0x80  }
0x24: {  	[spmem:s3] =	stream.indirect.scatter.add.f32 [tilespmem:s6], [sflag:$0x1], $0x1, s7, s5, $0xb8;
	[tilespmem:$0x3C40] =	vst v63  }
0x25: {  	s18 =	simm.s32 $0x1C80  }
0x26: {  	[spmem:s3] =	stream.indirect.scatter.add.f32 [tilespmem:s5], [sflag:$0x1], $0x1, s18, s5, $0xb8;
	[tilespmem:$0x3C40] =	vst v63  }
0x27: {  	s19 =	simm.s32 $0x1D00;
	s20 =	simm.s32 $0x100  }
0x28: {  	[spmem:s3] =	stream.indirect.scatter.add.f32 [tilespmem:s20], [sflag:$0x1], $0x1, s19, s5, $0xb8;
	[tilespmem:$0x3C40] =	vst v63  }
0x29: {  	s21 =	simm.s32 $0x1D80;
	s22 =	simm.s32 $0x180  }
0x2a: {  	[spmem:s3] =	stream.indirect.scatter.add.f32 [tilespmem:s22], [sflag:$0x1], $0x1, s21, s5, $0xb8;
	[tilespmem:$0x3C40] =	vst v63  }
0x2b: {  	s23 =	simm.s32 $0x1E00;
	s24 =	simm.s32 $0x200  }
0x2c: {  	[spmem:s3] =	stream.indirect.scatter.add.f32 [tilespmem:s24], [sflag:$0x1], $0x1, s23, s5, $0xb8;
	[tilespmem:$0x3C40] =	vst v63  }
0x2d: {  	s25 =	simm.s32 $0x1E80;
	s26 =	simm.s32 $0x280  }
0x2e: {  	[spmem:s3] =	stream.indirect.scatter.add.f32 [tilespmem:s26], [sflag:$0x1], $0x1, s25, s5, $0xb8;
	[tilespmem:$0x3C40] =	vst v63  }
0x2f: {  	s28 =	simm.s32 $0x1F00;
	s29 =	simm.s32 $0x300  }
0x30: {  	[spmem:s3] =	stream.indirect.scatter.add.f32 [tilespmem:s29], [sflag:$0x1], $0x1, s28, s5, $0xb8;
	[tilespmem:$0x3C40] =	vst v63  }
0x31: {  	s30 =	simm.s32 $0x1F80;
	s31 =	simm.s32 $0x380  }
0x32: {  	[spmem:s3] =	stream.indirect.scatter.add.f32 [tilespmem:s31], [sflag:$0x1], $0x1, s30, s5, $0xb8;
	[tilespmem:$0x3C40] =	vst v63  }
0x33: {  	s8 =	simm.s32 $0x400;
	s7 =	simm.s32 $0x2000  }
0x34: {  	[spmem:s3] =	stream.indirect.scatter.add.f32 [tilespmem:s8], [sflag:$0x1], $0x1, s7, s5, $0xb8;
	[tilespmem:$0x3C40] =	vst v63  }
0x35: {  	s9 =	simm.s32 $0x2080;
	s10 =	simm.s32 $0x480  }
0x36: {  	[spmem:s3] =	stream.indirect.scatter.add.f32 [tilespmem:s10], [sflag:$0x1], $0x1, s9, s5, $0xb8;
	[tilespmem:$0x3C40] =	vst v63  }
0x37: {  	s11 =	simm.s32 $0x2100;
	s12 =	simm.s32 $0x500  }
0x38: {  	[spmem:s3] =	stream.indirect.scatter.add.f32 [tilespmem:s12], [sflag:$0x1], $0x1, s11, s5, $0xb8;
	[tilespmem:$0x3C40] =	vst v63  }
0x39: {  	s13 =	simm.s32 $0x2180;
	s14 =	simm.s32 $0x580  }
0x3a: {  	[spmem:s3] =	stream.indirect.scatter.add.f32 [tilespmem:s14], [sflag:$0x1], $0x1, s13, s5, $0xb8;
	[tilespmem:$0x3C40] =	vst v63  }
0x3b: {  	s15 =	simm.s32 $0x2200;
	s16 =	simm.s32 $0x600  }
0x3c: {  	[spmem:s3] =	stream.indirect.scatter.add.f32 [tilespmem:s16], [sflag:$0x1], $0x1, s15, s5, $0xb8;
	[tilespmem:$0x3C40] =	vst v63  }
0x3d: {  	s17 =	simm.s32 $0x2280;
	s18 =	simm.s32 $0x680  }
0x3e: {  	[spmem:s3] =	stream.indirect.scatter.add.f32 [tilespmem:s18], [sflag:$0x1], $0x1, s17, s5, $0xb8;
	[tilespmem:$0x3C40] =	vst v63  }
0x3f: {  	s19 =	simm.s32 $0x2300;
	s20 =	simm.s32 $0x700  }
0x40: {  	[spmem:s3] =	stream.indirect.scatter.add.f32 [tilespmem:s20], [sflag:$0x1], $0x1, s19, s5, $0xb8;
	[tilespmem:$0x3C40] =	vst v63  }
0x41: {  	s21 =	simm.s32 $0x2380;
	s22 =	simm.s32 $0x780  }
0x42: {  	[spmem:s3] =	stream.indirect.scatter.add.f32 [tilespmem:s22], [sflag:$0x1], $0x1, s21, s5, $0xb8;
	[tilespmem:$0x3C40] =	vst v63  }
0x43: {  	s23 =	simm.s32 $0x2400;
	s24 =	simm.s32 $0x800  }
0x44: {  	[spmem:s3] =	stream.indirect.scatter.add.f32 [tilespmem:s24], [sflag:$0x1], $0x1, s23, s5, $0xb8;
	[tilespmem:$0x3C40] =	vst v63  }
0x45: {  	s25 =	simm.s32 $0x2480;
	s26 =	simm.s32 $0x880  }
0x46: {  	[spmem:s3] =	stream.indirect.scatter.add.f32 [tilespmem:s26], [sflag:$0x1], $0x1, s25, s5, $0xb8;
	[tilespmem:$0x3C40] =	vst v63  }
0x47: {  	s28 =	simm.s32 $0x2500;
	s29 =	simm.s32 $0x900  }
0x48: {  	[spmem:s3] =	stream.indirect.scatter.add.f32 [tilespmem:s29], [sflag:$0x1], $0x1, s28, s5, $0xb8;
	[tilespmem:$0x3C40] =	vst v63  }
0x49: {  	s30 =	simm.s32 $0x2580;
	s31 =	simm.s32 $0x980  }
0x4a: {  	[spmem:s3] =	stream.indirect.scatter.add.f32 [tilespmem:s31], [sflag:$0x1], $0x1, s30, s5, $0xb8;
	[tilespmem:$0x3C40] =	vst v63  }
0x4b: {  	s7 =	simm.s32 $0x2600;
	s8 =	simm.s32 $0xA00  }
0x4c: {  	[spmem:s3] =	stream.indirect.scatter.add.f32 [tilespmem:s8], [sflag:$0x1], $0x1, s7, s5, $0xb8;
	[tilespmem:$0x3C40] =	vst v63  }
0x4d: {  	s9 =	simm.s32 $0x2680;
	s10 =	simm.s32 $0xA80  }
0x4e: {  	[spmem:s3] =	stream.indirect.scatter.add.f32 [tilespmem:s10], [sflag:$0x1], $0x1, s9, s5, $0xb8;
	[tilespmem:$0x3C40] =	vst v63  }
0x4f: {  	s11 =	simm.s32 $0x2700;
	s12 =	simm.s32 $0xB00  }
0x50: {  	[spmem:s3] =	stream.indirect.scatter.add.f32 [tilespmem:s12], [sflag:$0x1], $0x1, s11, s5, $0xb8;
	[tilespmem:$0x3C40] =	vst v63  }
0x51: {  	s13 =	simm.s32 $0x2780;
	s14 =	simm.s32 $0xB80  }
0x52: {  	[spmem:s3] =	stream.indirect.scatter.add.f32 [tilespmem:s14], [sflag:$0x1], $0x1, s13, s5, $0xb8;
	[tilespmem:$0x3C40] =	vst v63  }
0x53: {  	s15 =	simm.s32 $0x2800;
	s16 =	simm.s32 $0xC00  }
0x54: {  	[spmem:s3] =	stream.indirect.scatter.add.f32 [tilespmem:s16], [sflag:$0x1], $0x1, s15, s5, $0xb8;
	[tilespmem:$0x3C40] =	vst v63  }
0x55: {  	s17 =	simm.s32 $0x2880;
	s18 =	simm.s32 $0xC80  }
0x56: {  	[spmem:s3] =	stream.indirect.scatter.add.f32 [tilespmem:s18], [sflag:$0x1], $0x1, s17, s5, $0xb8;
	[tilespmem:$0x3C40] =	vst v63  }
0x57: {  	s19 =	simm.s32 $0x2900;
	s20 =	simm.s32 $0xD00  }
0x58: {  	[spmem:s3] =	stream.indirect.scatter.add.f32 [tilespmem:s20], [sflag:$0x1], $0x1, s19, s5, $0xb8;
	[tilespmem:$0x3C40] =	vst v63  }
0x59: {  	s21 =	simm.s32 $0x2980;
	s22 =	simm.s32 $0xD80  }
0x5a: {  	[spmem:s3] =	stream.indirect.scatter.add.f32 [tilespmem:s22], [sflag:$0x1], $0x1, s21, s5, $0xb8;
	[tilespmem:$0x3C40] =	vst v63  }
0x5b: {  	s23 =	simm.s32 $0x2A00;
	s24 =	simm.s32 $0xE00  }
0x5c: {  	[spmem:s3] =	stream.indirect.scatter.add.f32 [tilespmem:s24], [sflag:$0x1], $0x1, s23, s5, $0xb8;
	[tilespmem:$0x3C40] =	vst v63  }
0x5d: {  	s25 =	simm.s32 $0x2A80;
	s26 =	simm.s32 $0xE80  }
0x5e: {  	[spmem:s3] =	stream.indirect.scatter.add.f32 [tilespmem:s26], [sflag:$0x1], $0x1, s25, s5, $0xb8;
	[tilespmem:$0x3C40] =	vst v63  }
0x5f: {  	s28 =	simm.s32 $0x2B00;
	s29 =	simm.s32 $0xF00  }
0x60: {  	[spmem:s3] =	stream.indirect.scatter.add.f32 [tilespmem:s29], [sflag:$0x1], $0x1, s28, s5, $0xb8;
	[tilespmem:$0x3C40] =	vst v63  }
0x61: {  	s30 =	simm.s32 $0x2B80;
	s31 =	simm.s32 $0xF80  }
0x62: {  	[spmem:s3] =	stream.indirect.scatter.add.f32 [tilespmem:s31], [sflag:$0x1], $0x1, s30, s5, $0xb8;
	[tilespmem:$0x3C40] =	vst v63  }
0x63: {  	s7 =	simm.s32 $0x2C00;
	s8 =	simm.s32 $0x1000  }
0x64: {  	[spmem:s3] =	stream.indirect.scatter.add.f32 [tilespmem:s8], [sflag:$0x1], $0x1, s7, s5, $0xb8;
	[tilespmem:$0x3C40] =	vst v63  }
0x65: {  	s9 =	simm.s32 $0x2C80;
	s10 =	simm.s32 $0x1080  }
0x66: {  	[spmem:s3] =	stream.indirect.scatter.add.f32 [tilespmem:s10], [sflag:$0x1], $0x1, s9, s5, $0xb8;
	[tilespmem:$0x3C40] =	vst v63  }
0x67: {  	s11 =	simm.s32 $0x2D00;
	s12 =	simm.s32 $0x1100  }
0x68: {  	[spmem:s3] =	stream.indirect.scatter.add.f32 [tilespmem:s12], [sflag:$0x1], $0x1, s11, s5, $0xb8;
	[tilespmem:$0x3C40] =	vst v63  }
0x69: {  	s13 =	simm.s32 $0x2D80;
	s14 =	simm.s32 $0x1180  }
0x6a: {  	[spmem:s3] =	stream.indirect.scatter.add.f32 [tilespmem:s14], [sflag:$0x1], $0x1, s13, s5, $0xb8;
	[tilespmem:$0x3C40] =	vst v63  }
0x6b: {  	s15 =	simm.s32 $0x2E00;
	s16 =	simm.s32 $0x1200  }
0x6c: {  	[spmem:s3] =	stream.indirect.scatter.add.f32 [tilespmem:s16], [sflag:$0x1], $0x1, s15, s5, $0xb8;
	[tilespmem:$0x3C40] =	vst v63  }
0x6d: {  	s17 =	simm.s32 $0x2E80;
	s18 =	simm.s32 $0x1280  }
0x6e: {  	[spmem:s3] =	stream.indirect.scatter.add.f32 [tilespmem:s18], [sflag:$0x1], $0x1, s17, s5, $0xb8;
	[tilespmem:$0x3C40] =	vst v63  }
0x6f: {  	s19 =	simm.s32 $0x2F00;
	s20 =	simm.s32 $0x1300  }
0x70: {  	[spmem:s3] =	stream.indirect.scatter.add.f32 [tilespmem:s20], [sflag:$0x1], $0x1, s19, s5, $0xb8;
	[tilespmem:$0x3C40] =	vst v63  }
0x71: {  	s21 =	simm.s32 $0x2F80;
	s22 =	simm.s32 $0x1380  }
0x72: {  	[spmem:s3] =	stream.indirect.scatter.add.f32 [tilespmem:s22], [sflag:$0x1], $0x1, s21, s5, $0xb8;
	[tilespmem:$0x3C40] =	vst v63  }
0x73: {  	s23 =	simm.s32 $0x3000;
	s24 =	simm.s32 $0x1400  }
0x74: {  	[spmem:s3] =	stream.indirect.scatter.add.f32 [tilespmem:s24], [sflag:$0x1], $0x1, s23, s5, $0xb8;
	[tilespmem:$0x3C40] =	vst v63  }
0x75: {  	s25 =	simm.s32 $0x3080;
	s26 =	simm.s32 $0x1480  }
0x76: {  	[spmem:s3] =	stream.indirect.scatter.add.f32 [tilespmem:s26], [sflag:$0x1], $0x1, s25, s5, $0xb8;
	[tilespmem:$0x3C40] =	vst v63  }
0x77: {  	s28 =	simm.s32 $0x3100;
	s29 =	simm.s32 $0x1500  }
0x78: {  	[spmem:s3] =	stream.indirect.scatter.add.f32 [tilespmem:s29], [sflag:$0x1], $0x1, s28, s5, $0xb8;
	[tilespmem:$0x3C40] =	vst v63  }
0x79: {  	s30 =	simm.s32 $0x3180;
	s31 =	simm.s32 $0x1580  }
0x7a: {  	[spmem:s3] =	stream.indirect.scatter.add.f32 [tilespmem:s31], [sflag:$0x1], $0x1, s30, s5, $0xb8;
	[tilespmem:$0x3C40] =	vst v63  }
0x7b: {  	s7 =	simm.s32 $0x3200;
	s8 =	simm.s32 $0x1600  }
0x7c: {  	[spmem:s3] =	stream.indirect.scatter.add.f32 [tilespmem:s8], [sflag:$0x1], $0x1, s7, s5, $0xb8;
	[tilespmem:$0x3C40] =	vst v63  }
0x7d: {  	s9 =	simm.s32 $0x3280;
	s10 =	simm.s32 $0x1680  }
0x7e: {  	[spmem:s3] =	stream.indirect.scatter.add.f32 [tilespmem:s10], [sflag:$0x1], $0x1, s9, s5, $0xb8;
	[tilespmem:$0x3C40] =	vst v63  }
0x7f: {  	s11 =	simm.s32 $0x3300;
	s12 =	simm.s32 $0x1700  }
0x80: {  	[spmem:s3] =	stream.indirect.scatter.add.f32 [tilespmem:s12], [sflag:$0x1], $0x1, s11, s5, $0xb8;
	[tilespmem:$0x3C40] =	vst v63  }
0x81: {  	s13 =	simm.s32 $0x3380;
	s14 =	simm.s32 $0x1780  }
0x82: {  	[spmem:s3] =	stream.indirect.scatter.add.f32 [tilespmem:s14], [sflag:$0x1], $0x1, s13, s5, $0xb8;
	[tilespmem:$0x3C40] =	vst v63  }
0x83: {  	s15 =	simm.s32 $0x3400;
	s16 =	simm.s32 $0x1800  }
0x84: {  	[spmem:s3] =	stream.indirect.scatter.add.f32 [tilespmem:s16], [sflag:$0x1], $0x1, s15, s5, $0xb8;
	[tilespmem:$0x3C40] =	vst v63  }
0x85: {  	s17 =	simm.s32 $0x3480;
	s18 =	simm.s32 $0x1880  }
0x86: {  	[spmem:s3] =	stream.indirect.scatter.add.f32 [tilespmem:s18], [sflag:$0x1], $0x1, s17, s5, $0xb8;
	[tilespmem:$0x3C40] =	vst v63  }
0x87: {  	s19 =	simm.s32 $0x3500;
	s20 =	simm.s32 $0x1900  }
0x88: {  	[spmem:s3] =	stream.indirect.scatter.add.f32 [tilespmem:s20], [sflag:$0x1], $0x1, s19, s5, $0xb8;
	[tilespmem:$0x3C40] =	vst v63  }
0x89: {  	s21 =	simm.s32 $0x3580;
	s22 =	simm.s32 $0x1980  }
0x8a: {  	[spmem:s3] =	stream.indirect.scatter.add.f32 [tilespmem:s22], [sflag:$0x1], $0x1, s21, s5, $0xb8;
	[tilespmem:$0x3C40] =	vst v63  }
0x8b: {  	s23 =	simm.s32 $0x3600;
	s24 =	simm.s32 $0x1A00  }
0x8c: {  	[spmem:s3] =	stream.indirect.scatter.add.f32 [tilespmem:s24], [sflag:$0x1], $0x1, s23, s5, $0xb8;
	[tilespmem:$0x3C40] =	vst v63  }
0x8d: {  	s25 =	simm.s32 $0x3680;
	s26 =	simm.s32 $0x1A80  }
0x8e: {  	[spmem:s3] =	stream.indirect.scatter.add.f32 [tilespmem:s26], [sflag:$0x1], $0x1, s25, s5, $0xb8;
	[tilespmem:$0x3C40] =	vst v63  }
0x8f: {  	s28 =	simm.s32 $0x3700;
	s29 =	simm.s32 $0x1B00  }
0x90: {  	[spmem:s3] =	stream.indirect.scatter.add.f32 [tilespmem:s29], [sflag:$0x1], $0x1, s28, s5, $0xb8;
	[tilespmem:$0x3C40] =	vst v63  }
0x91: {  	s30 =	simm.s32 $0x3780;
	s31 =	simm.s32 $0x1B80  }
0x92: {  	[spmem:s3] =	stream.indirect.scatter.add.f32 [tilespmem:s31], [sflag:$0x1], $0x1, s30, s5, $0xb8;
	[tilespmem:$0x3C40] =	vst v63  }
0x93: {  	_ =	swait.ge [sflag:s4], $0x80  }
0x94: {  	[sflag:s4] =	ssyncset.done $0x0  }
0x95: {  	[sflag:s4] =	ssyncadd.s32 $0xFFFFFF80  }
0x96: {  	_ =	swait.ge [sflag:s4], $0x80  }
0x97: {  	[sflag:s4] =	ssyncset.done $0x0  }
0x98: {  	[sflag:s4] =	ssyncadd.s32 $0xFFFFFF80  }
0x99: {  	_ =	swait.ge [sflag:s4], $0x80  }
0x9a: {  	[sflag:s4] =	ssyncset.done $0x0  }
0x9b: {  	[sflag:s4] =	ssyncadd.s32 $0xFFFFFF80  }
0x9c: {  	_ =	swait.ge [sflag:s4], $0x80  }
0x9d: {  	[sflag:s4] =	ssyncset.done $0x0  }
0x9e: {  	[sflag:s4] =	ssyncadd.s32 $0xFFFFFF80  }
0x9f: {  	_ =	swait.ge [sflag:s4], $0x80  }
0xa0: {  	[sflag:s4] =	ssyncset.done $0x0  }
0xa1: {  	[sflag:s4] =	ssyncadd.s32 $0xFFFFFF80  }
0xa2: {  	_ =	swait.ge [sflag:s4], $0x80  }
0xa3: {  	[sflag:s4] =	ssyncset.done $0x0  }
0xa4: {  	[sflag:s4] =	ssyncadd.s32 $0xFFFFFF80  }
0xa5: {  	_ =	swait.ge [sflag:s4], $0x80  }
0xa6: {  	[sflag:s4] =	ssyncset.done $0x0  }
0xa7: {  	[sflag:s4] =	ssyncadd.s32 $0xFFFFFF80  }
0xa8: {  	_ =	swait.ge [sflag:s4], $0x80  }
0xa9: {  	[sflag:s4] =	ssyncset.done $0x0  }
0xaa: {  	[sflag:s4] =	ssyncadd.s32 $0xFFFFFF80  }
0xab: {  	_ =	swait.ge [sflag:s4], $0x80  }
0xac: {  	[sflag:s4] =	ssyncset.done $0x0  }
0xad: {  	[sflag:s4] =	ssyncadd.s32 $0xFFFFFF80  }
0xae: {  	_ =	swait.ge [sflag:s4], $0x80  }
0xaf: {  	[sflag:s4] =	ssyncset.done $0x0  }
0xb0: {  	[sflag:s4] =	ssyncadd.s32 $0xFFFFFF80  }
0xb1: {  	_ =	swait.ge [sflag:s4], $0x80  }
0xb2: {  	[sflag:s4] =	ssyncset.done $0x0  }
0xb3: {  	[sflag:s4] =	ssyncadd.s32 $0xFFFFFF80  }
0xb4: {  	_ =	swait.ge [sflag:s4], $0x80  }
0xb5: {  	[sflag:s4] =	ssyncset.done $0x0  }
0xb6: {  	[sflag:s4] =	ssyncadd.s32 $0xFFFFFF80  }
0xb7: {  	_ =	swait.ge [sflag:s4], $0x80  }
0xb8: {  	[sflag:s4] =	ssyncset.done $0x0  }
0xb9: {  	[sflag:s4] =	ssyncadd.s32 $0xFFFFFF80  }
0xba: {  	_ =	swait.ge [sflag:s4], $0x80  }
0xbb: {  	[sflag:s4] =	ssyncset.done $0x0  }
0xbc: {  	[sflag:s4] =	ssyncadd.s32 $0xFFFFFF80  }
0xbd: {  	_ =	swait.ge [sflag:s4], $0x80  }
0xbe: {  	[sflag:s4] =	ssyncset.done $0x0  }
0xbf: {  	[sflag:s4] =	ssyncadd.s32 $0xFFFFFF80  }
0xc0: {  	_ =	swait.ge [sflag:s4], $0x80  }
0xc1: {  	[sflag:s4] =	ssyncset.done $0x0  }
0xc2: {  	[sflag:s4] =	ssyncadd.s32 $0xFFFFFF80  }
0xc3: {  	_ =	swait.ge [sflag:s4], $0x80  }
0xc4: {  	[sflag:s4] =	ssyncset.done $0x0  }
0xc5: {  	[sflag:s4] =	ssyncadd.s32 $0xFFFFFF80  }
0xc6: {  	_ =	swait.ge [sflag:s4], $0x80  }
0xc7: {  	[sflag:s4] =	ssyncset.done $0x0  }
0xc8: {  	[sflag:s4] =	ssyncadd.s32 $0xFFFFFF80  }
0xc9: {  	_ =	swait.ge [sflag:s4], $0x80  }
0xca: {  	[sflag:s4] =	ssyncset.done $0x0  }
0xcb: {  	[sflag:s4] =	ssyncadd.s32 $0xFFFFFF80  }
0xcc: {  	_ =	swait.ge [sflag:s4], $0x80  }
0xcd: {  	[sflag:s4] =	ssyncset.done $0x0  }
0xce: {  	[sflag:s4] =	ssyncadd.s32 $0xFFFFFF80  }
0xcf: {  	_ =	swait.ge [sflag:s4], $0x80  }
0xd0: {  	[sflag:s4] =	ssyncset.done $0x0  }
0xd1: {  	[sflag:s4] =	ssyncadd.s32 $0xFFFFFF80  }
0xd2: {  	_ =	swait.ge [sflag:s4], $0x80  }
0xd3: {  	[sflag:s4] =	ssyncset.done $0x0  }
0xd4: {  	[sflag:s4] =	ssyncadd.s32 $0xFFFFFF80  }
0xd5: {  	_ =	swait.ge [sflag:s4], $0x80  }
0xd6: {  	[sflag:s4] =	ssyncset.done $0x0  }
0xd7: {  	[sflag:s4] =	ssyncadd.s32 $0xFFFFFF80  }
0xd8: {  	_ =	swait.ge [sflag:s4], $0x80  }
0xd9: {  	[sflag:s4] =	ssyncset.done $0x0  }
0xda: {  	[sflag:s4] =	ssyncadd.s32 $0xFFFFFF80  }
0xdb: {  	_ =	swait.ge [sflag:s4], $0x80  }
0xdc: {  	[sflag:s4] =	ssyncset.done $0x0  }
0xdd: {  	[sflag:s4] =	ssyncadd.s32 $0xFFFFFF80  }
0xde: {  	_ =	swait.ge [sflag:s4], $0x80  }
0xdf: {  	[sflag:s4] =	ssyncset.done $0x0  }
0xe0: {  	[sflag:s4] =	ssyncadd.s32 $0xFFFFFF80  }
0xe1: {  	_ =	swait.ge [sflag:s4], $0x80  }
0xe2: {  	[sflag:s4] =	ssyncset.done $0x0  }
0xe3: {  	[sflag:s4] =	ssyncadd.s32 $0xFFFFFF80  }
0xe4: {  	_ =	swait.ge [sflag:s4], $0x80  }
0xe5: {  	[sflag:s4] =	ssyncset.done $0x0  }
0xe6: {  	[sflag:s4] =	ssyncadd.s32 $0xFFFFFF80  }
0xe7: {  	_ =	swait.ge [sflag:s4], $0x80  }
0xe8: {  	[sflag:s4] =	ssyncset.done $0x0  }
0xe9: {  	[sflag:s4] =	ssyncadd.s32 $0xFFFFFF80  }
0xea: {  	_ =	swait.ge [sflag:s4], $0x80  }
0xeb: {  	[sflag:s4] =	ssyncset.done $0x0  }
0xec: {  	[sflag:s4] =	ssyncadd.s32 $0xFFFFFF80  }
0xed: {  	_ =	swait.ge [sflag:s4], $0x80  }
0xee: {  	[sflag:s4] =	ssyncset.done $0x0  }
0xef: {  	[sflag:s4] =	ssyncadd.s32 $0xFFFFFF80  }
0xf0: {  	_ =	swait.ge [sflag:s4], $0x80  }
0xf1: {  	[sflag:s4] =	ssyncset.done $0x0  }
0xf2: {  	[sflag:s4] =	ssyncadd.s32 $0xFFFFFF80  }
0xf3: {  	_ =	swait.ge [sflag:s4], $0x80  }
0xf4: {  	[sflag:s4] =	ssyncset.done $0x0  }
0xf5: {  	[sflag:s4] =	ssyncadd.s32 $0xFFFFFF80  }
0xf6: {  	_ =	swait.ge [sflag:s4], $0x80  }
0xf7: {  	[sflag:s4] =	ssyncset.done $0x0  }
0xf8: {  	[sflag:s4] =	ssyncadd.s32 $0xFFFFFF80  }
0xf9: {  	_ =	swait.ge [sflag:s4], $0x80  }
0xfa: {  	[sflag:s4] =	ssyncset.done $0x0  }
0xfb: {  	[sflag:s4] =	ssyncadd.s32 $0xFFFFFF80  }
0xfc: {  	_ =	swait.ge [sflag:s4], $0x80  }
0xfd: {  	[sflag:s4] =	ssyncset.done $0x0  }
0xfe: {  	[sflag:s4] =	ssyncadd.s32 $0xFFFFFF80  }
0xff: {  	_ =	swait.ge [sflag:s4], $0x80  }
0x100: {  	[sflag:s4] =	ssyncset.done $0x0  }
0x101: {  	[sflag:s4] =	ssyncadd.s32 $0xFFFFFF80  }
0x102: {  	_ =	swait.ge [sflag:s4], $0x80  }
0x103: {  	[sflag:s4] =	ssyncset.done $0x0  }
0x104: {  	[sflag:s4] =	ssyncadd.s32 $0xFFFFFF80  }
0x105: {  	_ =	swait.ge [sflag:s4], $0x80  }
0x106: {  	[sflag:s4] =	ssyncset.done $0x0  }
0x107: {  	[sflag:s4] =	ssyncadd.s32 $0xFFFFFF80  }
0x108: {  	_ =	swait.ge [sflag:s4], $0x80  }
0x109: {  	[sflag:s4] =	ssyncset.done $0x0  }
0x10a: {  	[sflag:s4] =	ssyncadd.s32 $0xFFFFFF80  }
0x10b: {  	_ =	swait.ge [sflag:s4], $0x80  }
0x10c: {  	[sflag:s4] =	ssyncset.done $0x0  }
0x10d: {  	[sflag:s4] =	ssyncadd.s32 $0xFFFFFF80  }
0x10e: {  	_ =	swait.ge [sflag:s4], $0x80  }
0x10f: {  	[sflag:s4] =	ssyncset.done $0x0  }
0x110: {  	[sflag:s4] =	ssyncadd.s32 $0xFFFFFF80  }
0x111: {  	_ =	swait.ge [sflag:s4], $0x80  }
0x112: {  	[sflag:s4] =	ssyncset.done $0x0  }
0x113: {  	[sflag:s4] =	ssyncadd.s32 $0xFFFFFF80  }
0x114: {  	_ =	swait.ge [sflag:s4], $0x80  }
0x115: {  	[sflag:s4] =	ssyncset.done $0x0  }
0x116: {  	[sflag:s4] =	ssyncadd.s32 $0xFFFFFF80  }
0x117: {  	_ =	swait.ge [sflag:s4], $0x80  }
0x118: {  	[sflag:s4] =	ssyncset.done $0x0  }
0x119: {  	[sflag:s4] =	ssyncadd.s32 $0xFFFFFF80  }
0x11a: {  	_ =	swait.ge [sflag:s4], $0x80  }
0x11b: {  	[sflag:s4] =	ssyncset.done $0x0  }
0x11c: {  	[sflag:s4] =	ssyncadd.s32 $0xFFFFFF80  }
0x11d: {  	_ =	swait.ge [sflag:s4], $0x80  }
0x11e: {  	[sflag:s4] =	ssyncset.done $0x0  }
0x11f: {  	[sflag:s4] =	ssyncadd.s32 $0xFFFFFF80  }
0x120: {  	_ =	swait.ge [sflag:s4], $0x80  }
0x121: {  	[sflag:s4] =	ssyncset.done $0x0  }
0x122: {  	[sflag:s4] =	ssyncadd.s32 $0xFFFFFF80  }
0x123: {  	_ =	swait.ge [sflag:s4], $0x80  }
0x124: {  	[sflag:s4] =	ssyncset.done $0x0  }
0x125: {  	[sflag:s4] =	ssyncadd.s32 $0xFFFFFF80  }
0x126: {  	_ =	swait.ge [sflag:s4], $0x80  }
0x127: {  	[sflag:s4] =	ssyncset.done $0x0  }
0x128: {  	[sflag:s4] =	ssyncadd.s32 $0xFFFFFF80  }
0x129: {  	_ =	swait.ge [sflag:s4], $0x80  }
0x12a: {  	[sflag:s4] =	ssyncset.done $0x0  }
0x12b: {  	[sflag:s4] =	ssyncadd.s32 $0xFFFFFF80  }
0x12c: {  	_ =	swait.ge [sflag:s4], $0x80  }
0x12d: {  	[sflag:s4] =	ssyncset.done $0x0  }
0x12e: {  	[sflag:s4] =	ssyncadd.s32 $0xFFFFFF80  }
0x12f: {  	_ =	swait.ge [sflag:s4], $0x80  }
0x130: {  	[sflag:s4] =	ssyncset.done $0x0  }
0x131: {  	[sflag:s4] =	ssyncadd.s32 $0xFFFFFF80  }
0x132: {  	_ =	swait.ge [sflag:s4], $0x80  }
0x133: {  	[sflag:s4] =	ssyncset.done $0x0  }
0x134: {  	[sflag:s4] =	ssyncadd.s32 $0xFFFFFF80  }
0x135: {  	_ =	swait.ge [sflag:s4], $0x80  }
0x136: {  	[sflag:s4] =	ssyncset.done $0x0  }
0x137: {  	[sflag:s4] =	ssyncadd.s32 $0xFFFFFF80  }
0x138: {  	_ =	swait.ge [sflag:s4], $0x80  }
0x139: {  	[sflag:s4] =	ssyncset.done $0x0  }
0x13a: {  	[sflag:s4] =	ssyncadd.s32 $0xFFFFFF80  }
0x13b: {  	s3 =	sshrl.u32 @!p0 s3, $0x3;
	s4 =	simm.s32 @!p0 $0x1C02;
	[bflag:$0x0] =	sbarrier.arrive $0xFFFF  }
0x13c: {  	[hbm:s2], [sflag:s4] =	dma.local @!p0 [spmem:s3], $0x80  }
.Ltmp4:
0x13d: {  	_ = 	snop;
	(pc) =	sbr.rel .LBB2_8-.Ltmp4, $4  }
0x13e: {  	s2 =	simm.s32 @!p0 $0x2  }
0x13f: {  	_ =	swait.ge @!p0 [sflag:s2], $0x80  }
0x140: {  	[sflag:s2] =	ssyncset.done @!p0 $0x0  }
0x141: {  	[sflag:s2] =	ssyncadd.s32 @!p0 $0xFFFFFF80  }
.LBB2_2:
0x142: {  	[bflag:$0x0] =	sbarrier.arrive $0xFFFF  }
0x143: {  	[bflag:$0x0] =	sbarrier.arrive $0xFFFF  }
.LBB2_8:
0x144: {  	_ =	sfence.sel $0x180000  }
0x145: {  	[bflag:$0x0] =	sbarrier.arrive $0xFFFF  }
0x146: {  	p0 =	sne.s32 s1, $0x0;
	_ =	strace $0x90000047  }
0x147: {  	s0 =	sadd.s32 @!p0 $0x100000, s0;
	[bflag:$0x2] =	sbarrier.arrive $0xFFFF  }
0x148: {  	[sflag:s0] =	ssyncadd.tile.s32 @!p0 $0x1;
	_ =	shalt  }
.Lfunc_end2:
_tile_overlayer_lowered:
.L_overlay_start_2:
0x149: {  	(tag) =	ssettag $0x2  }
0x14a: {  	s0 =	rddreg [dreg:$0x0];
	s2 =	stileid.u32  }
0x14b: {  	s1 =	rddreg [dreg:$0x1];
	p0 =	sne.s32 s2, $0x0  }
0x14c: {  	s3 =	rddreg [dreg:$0x2];
	[bflag:$0x3] =	sbarrier.arrive $0xFFFF;
	s2 =	simm.s32 @!p0 $0x1C02  }
0x14d: {  	[timem:s3], [sflag:s2] =	dma.local @!p0 [hbm:s0], s1  }
0x14e: {  	s0 =	simm.s32 @!p0 $0x2  }
0x14f: {  	_ =	swait.ge @!p0 [sflag:s0], s1  }
0x150: {  	s1 =	ssub.s32 @!p0 $0x0, s1;
	[sflag:s0] =	ssyncset.done @!p0 $0x0  }
0x151: {  	[sflag:s0] =	ssyncadd.s32 @!p0 s1  }
0x152: {  	[bflag:$0x3] =	sbarrier.arrive $0xFFFF  }
0x153: {  	_ =	shalt  }

</sc_bundles>
